<compile_context>
chip_gen: v7x
topology: tpu7x:2x2x1
jax: 0.10.2.dev20260603
libtpu: 0.0.44.dev20260713+nightly
codegen_flags: <defaults>
</compile_context>

<pallas_src>
import functools

import jax
import jax.numpy as jnp
from jax import lax
from jax.experimental import pallas as pl
from jax.experimental.pallas import tpu as pltpu
from jax.experimental.pallas import tpu_sc as plsc

_N = 10000
_E = 320000
_DIN = 128
_DHID = 128
_NCLS = 40
_DP = 48

_NC = 2
_NS = 16
_NW = _NC * _NS
_EPW = _E // _NW
_CHUNK2 = 125
_WSTEP = 624
_WROWS = 640

_BN = 5000



def _make_segsum(D, chunk, halves):
  nchunks = _EPW // chunk
  nh = nchunks // halves
  mesh = plsc.VectorSubcoreMesh(core_axis_name="c", subcore_axis_name="s")

  @functools.partial(
      pl.kernel,
      out_type=jax.ShapeDtypeStruct((_NC * _N, D), jnp.float32),
      mesh=mesh,
      compiler_params=pltpu.CompilerParams(use_tc_tiling_on_sc=False,
                                           skip_device_barrier=True),
      scratch_types=[
          pltpu.VMEM((nh, chunk), jnp.int32),
          pltpu.VMEM((nh, chunk), jnp.int32),
          pltpu.VMEM((chunk, D), jnp.float32),
          pltpu.VMEM((chunk, D), jnp.float32),
          pltpu.VMEM_SHARED((_N, D), jnp.float32),
          pltpu.SemaphoreType.DMA,
          pltpu.SemaphoreType.DMA,
      ],
  )
  def segsum(g_hbm, src_hbm, dst_hbm, out_hbm,
             src_v, dst_v, rows0, rows1, acc_sh, gs0, gs1):
    cid = lax.axis_index("c")
    sid = lax.axis_index("s")
    wid = cid * _NS + sid
    z16 = jnp.zeros((16,), jnp.float32)

    def zrow(r, c):
      for j in range(D // 16):
        rows0[r, pl.ds(j * 16, 16)] = z16
      return c

    lax.fori_loop(0, chunk, zrow, 0)
    for c in range(5):
      pltpu.sync_copy(rows0, acc_sh.at[pl.ds(sid * 625 + c * 125, 125)])
    plsc.subcore_barrier()

    for h in range(halves):
      pltpu.sync_copy(src_hbm.at[pl.ds(wid * nchunks + h * nh, nh)], src_v)
      pltpu.sync_copy(dst_hbm.at[pl.ds(wid * nchunks + h * nh, nh)], dst_v)
      pltpu.async_copy(g_hbm.at[src_v.at[0]], rows0, gs0)

      def epair(k, carry):
        i = 2 * k
        i2 = jnp.minimum(i + 2, nh - 1)
        pltpu.async_copy(g_hbm.at[src_v.at[i + 1]], rows1, gs1)
        pltpu.make_async_copy(g_hbm.at[src_v.at[i]], rows0, gs0).wait()
        pltpu.sync_copy(rows0, acc_sh.at[dst_v.at[i]], add=True)
        pltpu.async_copy(g_hbm.at[src_v.at[i2]], rows0, gs0)
        pltpu.make_async_copy(g_hbm.at[src_v.at[i + 1]], rows1, gs1).wait()
        pltpu.sync_copy(rows1, acc_sh.at[dst_v.at[i + 1]], add=True)
        return carry

      lax.fori_loop(0, nh // 2, epair, 0)
      pltpu.make_async_copy(g_hbm.at[src_v.at[nh - 1]], rows0, gs0).wait()

    plsc.subcore_barrier()
    pltpu.sync_copy(acc_sh.at[pl.ds(sid * _WSTEP, _WROWS)],
                    out_hbm.at[pl.ds(cid * _N + sid * _WSTEP, _WROWS)])

  return segsum


_segsum_hid = _make_segsum(_DHID, _CHUNK2, 2)
_segsum_cls = _make_segsum(_DP, _CHUNK2, 1)

_deg_mesh = plsc.VectorSubcoreMesh(core_axis_name="c", subcore_axis_name="s")


@functools.partial(
    pl.kernel,
    out_type=jax.ShapeDtypeStruct((_NC * _N, 16), jnp.float32),
    mesh=_deg_mesh,
    compiler_params=pltpu.CompilerParams(use_tc_tiling_on_sc=False,
                                         skip_device_barrier=True),
    scratch_types=[
        pltpu.VMEM((_EPW // _CHUNK2, _CHUNK2), jnp.int32),
        pltpu.VMEM((_CHUNK2, 16), jnp.float32),
        pltpu.VMEM_SHARED((_N, 16), jnp.float32),
        pltpu.SemaphoreType.DMA,
    ],
)
def _sc_deg(dst_hbm, ones_hbm, z_hbm, out_hbm, dst_v, ones_v, acc_sh, sem):
  cid = lax.axis_index("c")
  sid = lax.axis_index("s")
  wid = cid * _NS + sid
  pltpu.sync_copy(z_hbm, acc_sh.at[pl.ds(sid * _WSTEP, _WROWS)])
  pltpu.sync_copy(dst_hbm.at[pl.ds(wid * (_EPW // _CHUNK2), _EPW // _CHUNK2)], dst_v)
  pltpu.sync_copy(ones_hbm, ones_v)
  plsc.subcore_barrier()

  def egroup(g, carry):
    def fire(j, c):
      pltpu.async_copy(ones_v, acc_sh.at[dst_v.at[g * 40 + j]], sem, add=True)
      return c

    lax.fori_loop(0, 40, fire, 0)

    def drain(j, c):
      pltpu.make_async_copy(ones_v, acc_sh.at[dst_v.at[0]], sem).wait()
      return c

    lax.fori_loop(0, 40, drain, 0)
    return carry

  lax.fori_loop(0, (_EPW // _CHUNK2) // 40, egroup, 0)
  plsc.subcore_barrier()
  pltpu.sync_copy(acc_sh.at[pl.ds(sid * _WSTEP, _WROWS)],
                  out_hbm.at[pl.ds(cid * _N + sid * _WSTEP, _WROWS)])



def _tc_prep(x, W1, degp):

  def body(x_ref, w_ref, d_ref, g_ref, dinv_ref):
    deg = d_ref[0, :, 0:1] + d_ref[1, :, 0:1] + 1.0
    dinv = lax.rsqrt(deg)
    g_ref[...] = jnp.dot(x_ref[...], w_ref[...],
                         preferred_element_type=jnp.float32) * dinv
    dinv_ref[...] = dinv

  return pl.pallas_call(
      body,
      grid=(_N // _BN,),
      in_specs=[
          pl.BlockSpec((_BN, _DIN), lambda i: (i, 0)),
          pl.BlockSpec((_DIN, _DHID), lambda i: (0, 0)),
          pl.BlockSpec((2, _BN, 16), lambda i: (0, i, 0)),
      ],
      out_specs=[
          pl.BlockSpec((_BN, _DHID), lambda i: (i, 0)),
          pl.BlockSpec((_BN, 1), lambda i: (i, 0)),
      ],
      out_shape=[
          jax.ShapeDtypeStruct((_N, _DHID), jnp.float32),
          jax.ShapeDtypeStruct((_N, 1), jnp.float32),
      ],
  )(x, W1, degp)


def _tc_mid(s1, g1, dinv, b1, W2p):

  def body(s_ref, g_ref, dv_ref, b_ref, w_ref, g2_ref):
    dinv = dv_ref[...]
    o1 = (s_ref[0] + s_ref[1] + g_ref[...]) * dinv + b_ref[...]
    o1 = jnp.maximum(o1, 0.0)
    g2_ref[...] = jnp.dot(o1, w_ref[...],
                          preferred_element_type=jnp.float32) * dinv

  return pl.pallas_call(
      body,
      grid=(_N // _BN,),
      in_specs=[
          pl.BlockSpec((2, _BN, _DHID), lambda i: (0, i, 0)),
          pl.BlockSpec((_BN, _DHID), lambda i: (i, 0)),
          pl.BlockSpec((_BN, 1), lambda i: (i, 0)),
          pl.BlockSpec((1, _DHID), lambda i: (0, 0)),
          pl.BlockSpec((_DHID, _DP), lambda i: (0, 0)),
      ],
      out_specs=pl.BlockSpec((_BN, _DP), lambda i: (i, 0)),
      out_shape=jax.ShapeDtypeStruct((_N, _DP), jnp.float32),
  )(s1, g1, dinv, b1, W2p)


def _tc_final(s2, g2, dinv, b2p):

  def body(s_ref, g_ref, dv_ref, b_ref, o_ref):
    dinv = dv_ref[...]
    t = (s_ref[0] + s_ref[1] + g_ref[...]) * dinv + b_ref[...]
    t = jnp.maximum(t, 0.0)
    mask = lax.broadcasted_iota(jnp.int32, (_BN, _DP), 1) < _NCLS
    t = jnp.where(mask, t, -1e30)
    m = jnp.max(t, axis=1, keepdims=True)
    e = jnp.exp(t - m)
    s = jnp.sum(e, axis=1, keepdims=True)
    o_ref[...] = (t - m - jnp.log(s))[:, :_NCLS]

  return pl.pallas_call(
      body,
      grid=(_N // _BN,),
      in_specs=[
          pl.BlockSpec((2, _BN, _DP), lambda i: (0, i, 0)),
          pl.BlockSpec((_BN, _DP), lambda i: (i, 0)),
          pl.BlockSpec((_BN, 1), lambda i: (i, 0)),
          pl.BlockSpec((1, _DP), lambda i: (0, 0)),
      ],
      out_specs=pl.BlockSpec((_BN, _NCLS), lambda i: (i, 0)),
      out_shape=jax.ShapeDtypeStruct((_N, _NCLS), jnp.float32),
  )(s2, g2, dinv, b2p)



def kernel(x, edge_index, W1, b1, W2, b2):
  src2 = edge_index[0].astype(jnp.int32).reshape(_E // _CHUNK2, _CHUNK2)
  dst2 = edge_index[1].astype(jnp.int32).reshape(_E // _CHUNK2, _CHUNK2)

  ones16 = jnp.ones((_CHUNK2, 16), jnp.float32)
  z16 = jnp.zeros((_WROWS, 16), jnp.float32)

  degp = _sc_deg(dst2, ones16, z16).reshape(2, _N, 16)
  g1, dinv = _tc_prep(x, W1, degp)
  s1 = _segsum_hid(g1, src2, dst2).reshape(2, _N, _DHID)
  g2 = _tc_mid(s1, g1, dinv, b1.reshape(1, _DHID),
               jnp.zeros((_DHID, _DP), jnp.float32).at[:, :_NCLS].set(W2))
  s2 = _segsum_cls(g2, src2, dst2).reshape(2, _N, _DP)
  return _tc_final(s2, g2, dinv,
                   jnp.zeros((1, _DP), jnp.float32).at[0, :_NCLS].set(b2))

# --- scband reference (transcript-rebuilt; emitter-appended) ---
"""Pipeline reference for scband-gcnnet-42563125903764 (READ-ONLY COPY).

The authoritative reference and input builder live on the scoring server;
editing this copy changes nothing except your own understanding.
"""

import jax, jax.numpy as jnp
import numpy as np

N = 10000
E = 320000
D_IN = 128
D_HID = 128
N_CLASSES = 40


def setup_inputs(seed: int = 0) -> dict:
    key = jax.random.key(seed)
    k1, k2, k3, k4, k5, k6 = jax.random.split(key, 6)
    x = jax.random.normal(k1, (N, D_IN), dtype=jnp.float32)
    edge_index = jax.random.randint(k2, (2, E), 0, N)
    s1 = 1.0 / np.sqrt(D_IN)
    s2 = 1.0 / np.sqrt(D_HID)
    W1 = jax.random.uniform(k3, (D_IN, D_HID), dtype=jnp.float32, minval=-s1, maxval=s1)
    b1 = jnp.zeros((D_HID,), dtype=jnp.float32)
    W2 = jax.random.uniform(k4, (D_HID, N_CLASSES), dtype=jnp.float32, minval=-s2, maxval=s2)
    b2 = jnp.zeros((N_CLASSES,), dtype=jnp.float32)
    return {"x": x, "edge_index": edge_index, "W1": W1, "b1": b1, "W2": W2, "b2": b2}


def _gcn_conv(x, src, dst, W, b, n):
    # GCNConv (PyG semantics): add self-loops, symmetric D^{-1/2}(A+I)D^{-1/2} normalization
    loop = jnp.arange(n, dtype=src.dtype)
    src_sl = jnp.concatenate([src, loop])
    dst_sl = jnp.concatenate([dst, loop])
    deg = jax.ops.segment_sum(jnp.ones_like(dst_sl, dtype=x.dtype), dst_sl, num_segments=n)
    dinv = jnp.where(deg > 0, jax.lax.rsqrt(deg), 0.0)
    norm = dinv[src_sl] * dinv[dst_sl]
    h = x @ W
    msg = h[src_sl] * norm[:, None]
    out = jax.ops.segment_sum(msg, dst_sl, num_segments=n)
    return out + b


def reference(x, edge_index, W1, b1, W2, b2):
    src = edge_index[0]
    dst = edge_index[1]
    n = x.shape[0]
    # dropout is identity at inference
    h = jax.nn.relu(_gcn_conv(x, src, dst, W1, b1, n))
    h = jax.nn.relu(_gcn_conv(h, src, dst, W2, b2, n))
    return jax.nn.log_softmax(h, axis=1)

if __name__ == "__main__":
    import jax
    _d = setup_inputs()
    print(jax.jit(kernel)(*tuple(_d.values())))

</pallas_src>

<mosaic_0001>
#map = affine_map<(d0, d1) -> (0, 0)>
module attributes {stable_mosaic.version = 14 : i64} {
  func.func @_sc_deg(%arg0: i32, %arg1: i32, %arg2: memref<2560x125xi32, #tpu.memory_space<hbm>>, %arg3: memref<125x16xf32, #tpu.memory_space<hbm>>, %arg4: memref<640x16xf32, #tpu.memory_space<hbm>>, %arg5: memref<20000x16xf32, #tpu.memory_space<hbm>>, %arg6: memref<80x125xi32, #tpu.memory_space<vmem>>, %arg7: memref<125x16xf32, #tpu.memory_space<vmem>>, %arg8: memref<10000x16xf32, #tpu.memory_space<vmem_shared>>, %arg9: memref<!tpu.dma_semaphore, #tpu.memory_space<semaphore_mem>>) attributes {dimension_semantics = [#tpu.dimension_semantics<core_parallel>, #tpu.dimension_semantics<subcore_parallel>], iteration_bounds = array<i64: 2, 16>, scalar_prefetch = 0 : i64, scratch_operands = 4 : i64, tpu.core_type = #tpu.core_type<sc_vector_subcore>, window_params = [{transform_indices = #map}, {transform_indices = #map}, {transform_indices = #map}, {transform_indices = #map}]} {
    %mul3A = arith.constant 16 : i32
    %mul3A_0 = arith.muli %arg0, %mul3A : i32
    %add3A = arith.addi %mul3A_0, %arg1 : i32
    %mul3A_1 = arith.constant 624 : i32
    %mul3A_2 = arith.muli %arg1, %mul3A_1 : i32
    "tpu.region"() ({
      %run_scoped3A = tpu.sem_alloc : memref<!tpu.dma_semaphore, #tpu.memory_space<semaphore_mem>>
      %dma_start3A = arith.constant 0 : i32
      %dma_start3A_18 = tpu.memref_slice %arg8[%mul3A_2, %dma_start3A] : memref<10000x16xf32, #tpu.memory_space<vmem_shared>> -> memref<640x16xf32, #tpu.memory_space<vmem_shared>>
      tpu.enqueue_dma source(%arg4 : memref<640x16xf32, #tpu.memory_space<hbm>>) target(%dma_start3A_18 : memref<640x16xf32, #tpu.memory_space<vmem_shared>>) target_semaphore(%run_scoped3A : memref<!tpu.dma_semaphore, #tpu.memory_space<semaphore_mem>>)
      %dma_wait3A = arith.constant 0 : i32
      %dma_wait3A_19 = tpu.memref_slice %arg8[%mul3A_2, %dma_wait3A] : memref<10000x16xf32, #tpu.memory_space<vmem_shared>> -> memref<640x16xf32, #tpu.memory_space<vmem_shared>>
      tpu.wait_dma2 semaphore(%run_scoped3A : memref<!tpu.dma_semaphore, #tpu.memory_space<semaphore_mem>>) src(%arg4 : memref<640x16xf32, #tpu.memory_space<hbm>>) dst(%dma_wait3A_19 : memref<640x16xf32, #tpu.memory_space<vmem_shared>>)
      tpu.yield
    }) : () -> ()
    %mul3A_3 = arith.constant 80 : i32
    %mul3A_4 = arith.muli %add3A, %mul3A_3 : i32
    "tpu.region"() ({
      %run_scoped3A = tpu.sem_alloc : memref<!tpu.dma_semaphore, #tpu.memory_space<semaphore_mem>>
      %dma_start3A = arith.constant 0 : i32
      %dma_start3A_18 = tpu.memref_slice %arg2[%mul3A_4, %dma_start3A] : memref<2560x125xi32, #tpu.memory_space<hbm>> -> memref<80x125xi32, #tpu.memory_space<hbm>>
      %dma_start3A_19 = arith.constant 0 : i32
      %dma_start3A_20 = tpu.memref_slice %arg2[%mul3A_4, %dma_start3A_19] : memref<2560x125xi32, #tpu.memory_space<hbm>> -> memref<80x125xi32, #tpu.memory_space<hbm>>
      tpu.enqueue_dma source(%dma_start3A_20 : memref<80x125xi32, #tpu.memory_space<hbm>>) target(%arg6 : memref<80x125xi32, #tpu.memory_space<vmem>>) target_semaphore(%run_scoped3A : memref<!tpu.dma_semaphore, #tpu.memory_space<semaphore_mem>>)
      %dma_wait3A = arith.constant 0 : i32
      %dma_wait3A_21 = tpu.memref_slice %arg2[%mul3A_4, %dma_wait3A] : memref<2560x125xi32, #tpu.memory_space<hbm>> -> memref<80x125xi32, #tpu.memory_space<hbm>>
      %dma_wait3A_22 = arith.constant 0 : i32
      %dma_wait3A_23 = tpu.memref_slice %arg2[%mul3A_4, %dma_wait3A_22] : memref<2560x125xi32, #tpu.memory_space<hbm>> -> memref<80x125xi32, #tpu.memory_space<hbm>>
      tpu.wait_dma2 semaphore(%run_scoped3A : memref<!tpu.dma_semaphore, #tpu.memory_space<semaphore_mem>>) src(%dma_wait3A_23 : memref<80x125xi32, #tpu.memory_space<hbm>>) dst(%arg6 : memref<80x125xi32, #tpu.memory_space<vmem>>)
      tpu.yield
    }) : () -> ()
    "tpu.region"() ({
      %run_scoped3A = tpu.sem_alloc : memref<!tpu.dma_semaphore, #tpu.memory_space<semaphore_mem>>
      tpu.enqueue_dma source(%arg3 : memref<125x16xf32, #tpu.memory_space<hbm>>) target(%arg7 : memref<125x16xf32, #tpu.memory_space<vmem>>) target_semaphore(%run_scoped3A : memref<!tpu.dma_semaphore, #tpu.memory_space<semaphore_mem>>)
      tpu.wait_dma2 semaphore(%run_scoped3A : memref<!tpu.dma_semaphore, #tpu.memory_space<semaphore_mem>>) src(%arg3 : memref<125x16xf32, #tpu.memory_space<hbm>>) dst(%arg7 : memref<125x16xf32, #tpu.memory_space<vmem>>)
      tpu.yield
    }) : () -> ()
    %barrier3A = arith.constant 0 : index
    tpu.barrier barrier_id(%barrier3A)
    %scan3A = arith.constant 0 : i32
    %scan3A_5 = arith.constant 0 : i32
    %scan3A_6 = arith.constant 2 : i32
    %scan3A_7 = arith.addi %scan3A_5, %scan3A_6 : i32
    %scan3A_8 = arith.constant 1 : i32
    scf.for %scan3A_18 = %scan3A_5 to %scan3A_7 step %scan3A_8  : i32 {
      %scan3A_19 = arith.constant 0 : i32
      %scan3A_20 = arith.constant 0 : i32
      %scan3A_21 = arith.constant 40 : i32
      %scan3A_22 = arith.addi %scan3A_20, %scan3A_21 : i32
      %scan3A_23 = arith.constant 1 : i32
      scf.for %scan3A_31 = %scan3A_20 to %scan3A_22 step %scan3A_23  : i32 {
        %mul3A_32 = arith.constant 40 : i32
        %mul3A_33 = arith.muli %scan3A_18, %mul3A_32 : i32
        %add3A_34 = arith.addi %mul3A_33, %scan3A_31 : i32
        %dma_start3A = arith.constant 0 : i32
        %dma_start3A_35 = tpu.memref_slice %arg6[%add3A_34, %dma_start3A] : memref<80x125xi32, #tpu.memory_space<vmem>> -> memref<1x125xi32, #tpu.memory_space<vmem>>
        %dma_start3A_36 = tpu.memref_squeeze %dma_start3A_35 : memref<1x125xi32, #tpu.memory_space<vmem>> -> memref<125xi32, #tpu.memory_space<vmem>>
        %dma_start3A_37 = arith.constant 0 : i32
        %dma_start3A_38 = arith.constant 0 : i32
        %dma_start3A_39 = tpu.memref_slice %arg8[%dma_start3A_37, %dma_start3A_38] : memref<10000x16xf32, #tpu.memory_space<vmem_shared>> -> memref<10000x16xf32, #tpu.memory_space<vmem_shared>>
        tpu.enqueue_indirect_dma source(%arg7 : memref<125x16xf32, #tpu.memory_space<vmem>>) target(%dma_start3A_39 : memref<10000x16xf32, #tpu.memory_space<vmem_shared>>) offsets(%dma_start3A_36 : memref<125xi32, #tpu.memory_space<vmem>>) semaphore(%arg9 : memref<!tpu.dma_semaphore, #tpu.memory_space<semaphore_mem>>) {add = true}
      }
      %scan3A_24 = arith.constant 40 : i32
      %scan3A_25 = arith.constant 0 : i32
      %scan3A_26 = arith.constant 0 : i32
      %scan3A_27 = arith.constant 40 : i32
      %scan3A_28 = arith.addi %scan3A_26, %scan3A_27 : i32
      %scan3A_29 = arith.constant 1 : i32
      scf.for %scan3A_31 = %scan3A_26 to %scan3A_28 step %scan3A_29  : i32 {
        %dma_wait3A = arith.constant 0 : i32
        %dma_wait3A_32 = arith.constant 0 : i32
        %dma_wait3A_33 = tpu.memref_slice %arg6[%dma_wait3A, %dma_wait3A_32] : memref<80x125xi32, #tpu.memory_space<vmem>> -> memref<1x125xi32, #tpu.memory_space<vmem>>
        %dma_wait3A_34 = tpu.memref_squeeze %dma_wait3A_33 : memref<1x125xi32, #tpu.memory_space<vmem>> -> memref<125xi32, #tpu.memory_space<vmem>>
        %dma_wait3A_35 = arith.constant 0 : i32
        %dma_wait3A_36 = arith.constant 0 : i32
        %dma_wait3A_37 = tpu.memref_slice %arg8[%dma_wait3A_35, %dma_wait3A_36] : memref<10000x16xf32, #tpu.memory_space<vmem_shared>> -> memref<10000x16xf32, #tpu.memory_space<vmem_shared>>
        tpu.wait_indirect_dma semaphore(%arg9 : memref<!tpu.dma_semaphore, #tpu.memory_space<semaphore_mem>>) src(%arg7 : memref<125x16xf32, #tpu.memory_space<vmem>>) dst(%dma_wait3A_37 : memref<10000x16xf32, #tpu.memory_space<vmem_shared>>)
      }
      %scan3A_30 = arith.constant 40 : i32
    }
    %scan3A_9 = arith.constant 2 : i32
    %barrier3A_10 = arith.constant 0 : index
    tpu.barrier barrier_id(%barrier3A_10)
    %mul3A_11 = arith.constant 624 : i32
    %mul3A_12 = arith.muli %arg1, %mul3A_11 : i32
    %mul3A_13 = arith.constant 10000 : i32
    %mul3A_14 = arith.muli %arg0, %mul3A_13 : i32
    %mul3A_15 = arith.constant 624 : i32
    %mul3A_16 = arith.muli %arg1, %mul3A_15 : i32
    %add3A_17 = arith.addi %mul3A_14, %mul3A_16 : i32
    "tpu.region"() ({
      %run_scoped3A = tpu.sem_alloc : memref<!tpu.dma_semaphore, #tpu.memory_space<semaphore_mem>>
      %dma_start3A = arith.constant 0 : i32
      %dma_start3A_18 = tpu.memref_slice %arg5[%add3A_17, %dma_start3A] : memref<20000x16xf32, #tpu.memory_space<hbm>> -> memref<640x16xf32, #tpu.memory_space<hbm>>
      %dma_start3A_19 = arith.constant 0 : i32
      %dma_start3A_20 = tpu.memref_slice %arg8[%mul3A_12, %dma_start3A_19] : memref<10000x16xf32, #tpu.memory_space<vmem_shared>> -> memref<640x16xf32, #tpu.memory_space<vmem_shared>>
      tpu.enqueue_dma source(%dma_start3A_20 : memref<640x16xf32, #tpu.memory_space<vmem_shared>>) target(%dma_start3A_18 : memref<640x16xf32, #tpu.memory_space<hbm>>) target_semaphore(%run_scoped3A : memref<!tpu.dma_semaphore, #tpu.memory_space<semaphore_mem>>)
      %dma_wait3A = arith.constant 0 : i32
      %dma_wait3A_21 = tpu.memref_slice %arg5[%add3A_17, %dma_wait3A] : memref<20000x16xf32, #tpu.memory_space<hbm>> -> memref<640x16xf32, #tpu.memory_space<hbm>>
      %dma_wait3A_22 = arith.constant 0 : i32
      %dma_wait3A_23 = tpu.memref_slice %arg8[%mul3A_12, %dma_wait3A_22] : memref<10000x16xf32, #tpu.memory_space<vmem_shared>> -> memref<640x16xf32, #tpu.memory_space<vmem_shared>>
      tpu.wait_dma2 semaphore(%run_scoped3A : memref<!tpu.dma_semaphore, #tpu.memory_space<semaphore_mem>>) src(%dma_wait3A_23 : memref<640x16xf32, #tpu.memory_space<vmem_shared>>) dst(%dma_wait3A_21 : memref<640x16xf32, #tpu.memory_space<hbm>>)
      tpu.yield
    }) : () -> ()
    return
  }
}

#map = affine_map<(d0, d1) -> (0, 0)>
module attributes {stable_mosaic.version = 14 : i64} {
  func.func @segsum(%arg0: i32, %arg1: i32, %arg2: memref<10000x48xf32, #tpu.memory_space<hbm>>, %arg3: memref<2560x125xi32, #tpu.memory_space<hbm>>, %arg4: memref<2560x125xi32, #tpu.memory_space<hbm>>, %arg5: memref<20000x48xf32, #tpu.memory_space<hbm>>, %arg6: memref<80x125xi32, #tpu.memory_space<vmem>>, %arg7: memref<80x125xi32, #tpu.memory_space<vmem>>, %arg8: memref<125x48xf32, #tpu.memory_space<vmem>>, %arg9: memref<125x48xf32, #tpu.memory_space<vmem>>, %arg10: memref<10000x48xf32, #tpu.memory_space<vmem_shared>>, %arg11: memref<!tpu.dma_semaphore, #tpu.memory_space<semaphore_mem>>, %arg12: memref<!tpu.dma_semaphore, #tpu.memory_space<semaphore_mem>>) attributes {dimension_semantics = [#tpu.dimension_semantics<core_parallel>, #tpu.dimension_semantics<subcore_parallel>], iteration_bounds = array<i64: 2, 16>, scalar_prefetch = 0 : i64, scratch_operands = 7 : i64, tpu.core_type = #tpu.core_type<sc_vector_subcore>, window_params = [{transform_indices = #map}, {transform_indices = #map}, {transform_indices = #map}, {transform_indices = #map}]} {
    %mul3A = arith.constant 16 : i32
    %mul3A_0 = arith.muli %arg0, %mul3A : i32
    %add3A = arith.addi %mul3A_0, %arg1 : i32
    %broadcast_in_dim3A = arith.constant 0.000000e+00 : f32
    %broadcast_in_dim3A_1 = vector.broadcast %broadcast_in_dim3A : f32 to vector<16xf32>
    %scan3A = arith.constant 0 : i32
    %scan3A_2 = arith.constant 0 : i32
    %scan3A_3 = arith.constant 125 : i32
    %scan3A_4 = arith.addi %scan3A_2, %scan3A_3 : i32
    %scan3A_5 = arith.constant 1 : i32
    scf.for %scan3A_61 = %scan3A_2 to %scan3A_4 step %scan3A_5  : i32 {
      %swap3A = arith.index_cast %scan3A_61 : i32 to index
      %swap3A_62 = arith.constant 0 : index
      %swap3A_63 = tpu.vector_load %arg8[%swap3A, %swap3A_62] {strides = array<i32>} : memref<125x48xf32, #tpu.memory_space<vmem>>, vector<1x16xf32>,
      %swap3A_64 = vector.shape_cast %swap3A_63 : vector<1x16xf32> to vector<16xf32>
      %swap3A_65 = vector.shape_cast %broadcast_in_dim3A_1 : vector<16xf32> to vector<1x16xf32>
      tpu.vector_store %arg8[%swap3A, %swap3A_62], %swap3A_65 {strides = array<i32>} : memref<125x48xf32, #tpu.memory_space<vmem>>, vector<1x16xf32>,
      %swap3A_66 = arith.index_cast %scan3A_61 : i32 to index
      %swap3A_67 = arith.constant 16 : index
      %swap3A_68 = tpu.vector_load %arg8[%swap3A_66, %swap3A_67] {strides = array<i32>} : memref<125x48xf32, #tpu.memory_space<vmem>>, vector<1x16xf32>,
      %swap3A_69 = vector.shape_cast %swap3A_68 : vector<1x16xf32> to vector<16xf32>
      %swap3A_70 = vector.shape_cast %broadcast_in_dim3A_1 : vector<16xf32> to vector<1x16xf32>
      tpu.vector_store %arg8[%swap3A_66, %swap3A_67], %swap3A_70 {strides = array<i32>} : memref<125x48xf32, #tpu.memory_space<vmem>>, vector<1x16xf32>,
      %swap3A_71 = arith.index_cast %scan3A_61 : i32 to index
      %swap3A_72 = arith.constant 32 : index
      %swap3A_73 = tpu.vector_load %arg8[%swap3A_71, %swap3A_72] {strides = array<i32>} : memref<125x48xf32, #tpu.memory_space<vmem>>, vector<1x16xf32>,
      %swap3A_74 = vector.shape_cast %swap3A_73 : vector<1x16xf32> to vector<16xf32>
      %swap3A_75 = vector.shape_cast %broadcast_in_dim3A_1 : vector<16xf32> to vector<1x16xf32>
      tpu.vector_store %arg8[%swap3A_71, %swap3A_72], %swap3A_75 {strides = array<i32>} : memref<125x48xf32, #tpu.memory_space<vmem>>, vector<1x16xf32>,
    }
    %scan3A_6 = arith.constant 125 : i32
    %mul3A_7 = arith.constant 625 : i32
    %mul3A_8 = arith.muli %arg1, %mul3A_7 : i32
    %add3A_9 = arith.constant 0 : i32
    %add3A_10 = arith.addi %mul3A_8, %add3A_9 : i32
    "tpu.region"() ({
      %run_scoped3A = tpu.sem_alloc : memref<!tpu.dma_semaphore, #tpu.memory_space<semaphore_mem>>
      %dma_start3A_61 = arith.constant 0 : i32
      %dma_start3A_62 = tpu.memref_slice %arg10[%add3A_10, %dma_start3A_61] : memref<10000x48xf32, #tpu.memory_space<vmem_shared>> -> memref<125x48xf32, #tpu.memory_space<vmem_shared>>
      %dma_start3A_63 = arith.constant 0 : i32
      %dma_start3A_64 = tpu.memref_slice %arg10[%add3A_10, %dma_start3A_63] : memref<10000x48xf32, #tpu.memory_space<vmem_shared>> -> memref<125x48xf32, #tpu.memory_space<vmem_shared>>
      tpu.enqueue_dma source(%arg8 : memref<125x48xf32, #tpu.memory_space<vmem>>) target(%dma_start3A_64 : memref<125x48xf32, #tpu.memory_space<vmem_shared>>) target_semaphore(%run_scoped3A : memref<!tpu.dma_semaphore, #tpu.memory_space<semaphore_mem>>)
      %dma_wait3A_65 = arith.constant 0 : i32
      %dma_wait3A_66 = tpu.memref_slice %arg10[%add3A_10, %dma_wait3A_65] : memref<10000x48xf32, #tpu.memory_space<vmem_shared>> -> memref<125x48xf32, #tpu.memory_space<vmem_shared>>
      %dma_wait3A_67 = arith.constant 0 : i32
      %dma_wait3A_68 = tpu.memref_slice %arg10[%add3A_10, %dma_wait3A_67] : memref<10000x48xf32, #tpu.memory_space<vmem_shared>> -> memref<125x48xf32, #tpu.memory_space<vmem_shared>>
      tpu.wait_dma2 semaphore(%run_scoped3A : memref<!tpu.dma_semaphore, #tpu.memory_space<semaphore_mem>>) src(%arg8 : memref<125x48xf32, #tpu.memory_space<vmem>>) dst(%dma_wait3A_68 : memref<125x48xf32, #tpu.memory_space<vmem_shared>>)
      tpu.yield
    }) : () -> ()
    %mul3A_11 = arith.constant 625 : i32
    %mul3A_12 = arith.muli %arg1, %mul3A_11 : i32
    %add3A_13 = arith.constant 125 : i32
    %add3A_14 = arith.addi %mul3A_12, %add3A_13 : i32
    "tpu.region"() ({
      %run_scoped3A = tpu.sem_alloc : memref<!tpu.dma_semaphore, #tpu.memory_space<semaphore_mem>>
      %dma_start3A_61 = arith.constant 0 : i32
      %dma_start3A_62 = tpu.memref_slice %arg10[%add3A_14, %dma_start3A_61] : memref<10000x48xf32, #tpu.memory_space<vmem_shared>> -> memref<125x48xf32, #tpu.memory_space<vmem_shared>>
      %dma_start3A_63 = arith.constant 0 : i32
      %dma_start3A_64 = tpu.memref_slice %arg10[%add3A_14, %dma_start3A_63] : memref<10000x48xf32, #tpu.memory_space<vmem_shared>> -> memref<125x48xf32, #tpu.memory_space<vmem_shared>>
      tpu.enqueue_dma source(%arg8 : memref<125x48xf32, #tpu.memory_space<vmem>>) target(%dma_start3A_64 : memref<125x48xf32, #tpu.memory_space<vmem_shared>>) target_semaphore(%run_scoped3A : memref<!tpu.dma_semaphore, #tpu.memory_space<semaphore_mem>>)
      %dma_wait3A_65 = arith.constant 0 : i32
      %dma_wait3A_66 = tpu.memref_slice %arg10[%add3A_14, %dma_wait3A_65] : memref<10000x48xf32, #tpu.memory_space<vmem_shared>> -> memref<125x48xf32, #tpu.memory_space<vmem_shared>>
      %dma_wait3A_67 = arith.constant 0 : i32
      %dma_wait3A_68 = tpu.memref_slice %arg10[%add3A_14, %dma_wait3A_67] : memref<10000x48xf32, #tpu.memory_space<vmem_shared>> -> memref<125x48xf32, #tpu.memory_space<vmem_shared>>
      tpu.wait_dma2 semaphore(%run_scoped3A : memref<!tpu.dma_semaphore, #tpu.memory_space<semaphore_mem>>) src(%arg8 : memref<125x48xf32, #tpu.memory_space<vmem>>) dst(%dma_wait3A_68 : memref<125x48xf32, #tpu.memory_space<vmem_shared>>)
      tpu.yield
    }) : () -> ()
    %mul3A_15 = arith.constant 625 : i32
    %mul3A_16 = arith.muli %arg1, %mul3A_15 : i32
    %add3A_17 = arith.constant 250 : i32
    %add3A_18 = arith.addi %mul3A_16, %add3A_17 : i32
    "tpu.region"() ({
      %run_scoped3A = tpu.sem_alloc : memref<!tpu.dma_semaphore, #tpu.memory_space<semaphore_mem>>
      %dma_start3A_61 = arith.constant 0 : i32
      %dma_start3A_62 = tpu.memref_slice %arg10[%add3A_18, %dma_start3A_61] : memref<10000x48xf32, #tpu.memory_space<vmem_shared>> -> memref<125x48xf32, #tpu.memory_space<vmem_shared>>
      %dma_start3A_63 = arith.constant 0 : i32
      %dma_start3A_64 = tpu.memref_slice %arg10[%add3A_18, %dma_start3A_63] : memref<10000x48xf32, #tpu.memory_space<vmem_shared>> -> memref<125x48xf32, #tpu.memory_space<vmem_shared>>
      tpu.enqueue_dma source(%arg8 : memref<125x48xf32, #tpu.memory_space<vmem>>) target(%dma_start3A_64 : memref<125x48xf32, #tpu.memory_space<vmem_shared>>) target_semaphore(%run_scoped3A : memref<!tpu.dma_semaphore, #tpu.memory_space<semaphore_mem>>)
      %dma_wait3A_65 = arith.constant 0 : i32
      %dma_wait3A_66 = tpu.memref_slice %arg10[%add3A_18, %dma_wait3A_65] : memref<10000x48xf32, #tpu.memory_space<vmem_shared>> -> memref<125x48xf32, #tpu.memory_space<vmem_shared>>
      %dma_wait3A_67 = arith.constant 0 : i32
      %dma_wait3A_68 = tpu.memref_slice %arg10[%add3A_18, %dma_wait3A_67] : memref<10000x48xf32, #tpu.memory_space<vmem_shared>> -> memref<125x48xf32, #tpu.memory_space<vmem_shared>>
      tpu.wait_dma2 semaphore(%run_scoped3A : memref<!tpu.dma_semaphore, #tpu.memory_space<semaphore_mem>>) src(%arg8 : memref<125x48xf32, #tpu.memory_space<vmem>>) dst(%dma_wait3A_68 : memref<125x48xf32, #tpu.memory_space<vmem_shared>>)
      tpu.yield
    }) : () -> ()
    %mul3A_19 = arith.constant 625 : i32
    %mul3A_20 = arith.muli %arg1, %mul3A_19 : i32
    %add3A_21 = arith.constant 375 : i32
    %add3A_22 = arith.addi %mul3A_20, %add3A_21 : i32
    "tpu.region"() ({
      %run_scoped3A = tpu.sem_alloc : memref<!tpu.dma_semaphore, #tpu.memory_space<semaphore_mem>>
      %dma_start3A_61 = arith.constant 0 : i32
      %dma_start3A_62 = tpu.memref_slice %arg10[%add3A_22, %dma_start3A_61] : memref<10000x48xf32, #tpu.memory_space<vmem_shared>> -> memref<125x48xf32, #tpu.memory_space<vmem_shared>>
      %dma_start3A_63 = arith.constant 0 : i32
      %dma_start3A_64 = tpu.memref_slice %arg10[%add3A_22, %dma_start3A_63] : memref<10000x48xf32, #tpu.memory_space<vmem_shared>> -> memref<125x48xf32, #tpu.memory_space<vmem_shared>>
      tpu.enqueue_dma source(%arg8 : memref<125x48xf32, #tpu.memory_space<vmem>>) target(%dma_start3A_64 : memref<125x48xf32, #tpu.memory_space<vmem_shared>>) target_semaphore(%run_scoped3A : memref<!tpu.dma_semaphore, #tpu.memory_space<semaphore_mem>>)
      %dma_wait3A_65 = arith.constant 0 : i32
      %dma_wait3A_66 = tpu.memref_slice %arg10[%add3A_22, %dma_wait3A_65] : memref<10000x48xf32, #tpu.memory_space<vmem_shared>> -> memref<125x48xf32, #tpu.memory_space<vmem_shared>>
      %dma_wait3A_67 = arith.constant 0 : i32
      %dma_wait3A_68 = tpu.memref_slice %arg10[%add3A_22, %dma_wait3A_67] : memref<10000x48xf32, #tpu.memory_space<vmem_shared>> -> memref<125x48xf32, #tpu.memory_space<vmem_shared>>
      tpu.wait_dma2 semaphore(%run_scoped3A : memref<!tpu.dma_semaphore, #tpu.memory_space<semaphore_mem>>) src(%arg8 : memref<125x48xf32, #tpu.memory_space<vmem>>) dst(%dma_wait3A_68 : memref<125x48xf32, #tpu.memory_space<vmem_shared>>)
      tpu.yield
    }) : () -> ()
    %mul3A_23 = arith.constant 625 : i32
    %mul3A_24 = arith.muli %arg1, %mul3A_23 : i32
    %add3A_25 = arith.constant 500 : i32
    %add3A_26 = arith.addi %mul3A_24, %add3A_25 : i32
    "tpu.region"() ({
      %run_scoped3A = tpu.sem_alloc : memref<!tpu.dma_semaphore, #tpu.memory_space<semaphore_mem>>
      %dma_start3A_61 = arith.constant 0 : i32
      %dma_start3A_62 = tpu.memref_slice %arg10[%add3A_26, %dma_start3A_61] : memref<10000x48xf32, #tpu.memory_space<vmem_shared>> -> memref<125x48xf32, #tpu.memory_space<vmem_shared>>
      %dma_start3A_63 = arith.constant 0 : i32
      %dma_start3A_64 = tpu.memref_slice %arg10[%add3A_26, %dma_start3A_63] : memref<10000x48xf32, #tpu.memory_space<vmem_shared>> -> memref<125x48xf32, #tpu.memory_space<vmem_shared>>
      tpu.enqueue_dma source(%arg8 : memref<125x48xf32, #tpu.memory_space<vmem>>) target(%dma_start3A_64 : memref<125x48xf32, #tpu.memory_space<vmem_shared>>) target_semaphore(%run_scoped3A : memref<!tpu.dma_semaphore, #tpu.memory_space<semaphore_mem>>)
      %dma_wait3A_65 = arith.constant 0 : i32
      %dma_wait3A_66 = tpu.memref_slice %arg10[%add3A_26, %dma_wait3A_65] : memref<10000x48xf32, #tpu.memory_space<vmem_shared>> -> memref<125x48xf32, #tpu.memory_space<vmem_shared>>
      %dma_wait3A_67 = arith.constant 0 : i32
      %dma_wait3A_68 = tpu.memref_slice %arg10[%add3A_26, %dma_wait3A_67] : memref<10000x48xf32, #tpu.memory_space<vmem_shared>> -> memref<125x48xf32, #tpu.memory_space<vmem_shared>>
      tpu.wait_dma2 semaphore(%run_scoped3A : memref<!tpu.dma_semaphore, #tpu.memory_space<semaphore_mem>>) src(%arg8 : memref<125x48xf32, #tpu.memory_space<vmem>>) dst(%dma_wait3A_68 : memref<125x48xf32, #tpu.memory_space<vmem_shared>>)
      tpu.yield
    }) : () -> ()
    %barrier3A = arith.constant 0 : index
    tpu.barrier barrier_id(%barrier3A)
    %mul3A_27 = arith.constant 80 : i32
    %mul3A_28 = arith.muli %add3A, %mul3A_27 : i32
    %add3A_29 = arith.constant 0 : i32
    %add3A_30 = arith.addi %mul3A_28, %add3A_29 : i32
    "tpu.region"() ({
      %run_scoped3A = tpu.sem_alloc : memref<!tpu.dma_semaphore, #tpu.memory_space<semaphore_mem>>
      %dma_start3A_61 = arith.constant 0 : i32
      %dma_start3A_62 = tpu.memref_slice %arg3[%add3A_30, %dma_start3A_61] : memref<2560x125xi32, #tpu.memory_space<hbm>> -> memref<80x125xi32, #tpu.memory_space<hbm>>
      %dma_start3A_63 = arith.constant 0 : i32
      %dma_start3A_64 = tpu.memref_slice %arg3[%add3A_30, %dma_start3A_63] : memref<2560x125xi32, #tpu.memory_space<hbm>> -> memref<80x125xi32, #tpu.memory_space<hbm>>
      tpu.enqueue_dma source(%dma_start3A_64 : memref<80x125xi32, #tpu.memory_space<hbm>>) target(%arg6 : memref<80x125xi32, #tpu.memory_space<vmem>>) target_semaphore(%run_scoped3A : memref<!tpu.dma_semaphore, #tpu.memory_space<semaphore_mem>>)
      %dma_wait3A_65 = arith.constant 0 : i32
      %dma_wait3A_66 = tpu.memref_slice %arg3[%add3A_30, %dma_wait3A_65] : memref<2560x125xi32, #tpu.memory_space<hbm>> -> memref<80x125xi32, #tpu.memory_space<hbm>>
      %dma_wait3A_67 = arith.constant 0 : i32
      %dma_wait3A_68 = tpu.memref_slice %arg3[%add3A_30, %dma_wait3A_67] : memref<2560x125xi32, #tpu.memory_space<hbm>> -> memref<80x125xi32, #tpu.memory_space<hbm>>
      tpu.wait_dma2 semaphore(%run_scoped3A : memref<!tpu.dma_semaphore, #tpu.memory_space<semaphore_mem>>) src(%dma_wait3A_68 : memref<80x125xi32, #tpu.memory_space<hbm>>) dst(%arg6 : memref<80x125xi32, #tpu.memory_space<vmem>>)
      tpu.yield
    }) : () -> ()
    %mul3A_31 = arith.constant 80 : i32
    %mul3A_32 = arith.muli %add3A, %mul3A_31 : i32
    %add3A_33 = arith.constant 0 : i32
    %add3A_34 = arith.addi %mul3A_32, %add3A_33 : i32
    "tpu.region"() ({
      %run_scoped3A = tpu.sem_alloc : memref<!tpu.dma_semaphore, #tpu.memory_space<semaphore_mem>>
      %dma_start3A_61 = arith.constant 0 : i32
      %dma_start3A_62 = tpu.memref_slice %arg4[%add3A_34, %dma_start3A_61] : memref<2560x125xi32, #tpu.memory_space<hbm>> -> memref<80x125xi32, #tpu.memory_space<hbm>>
      %dma_start3A_63 = arith.constant 0 : i32
      %dma_start3A_64 = tpu.memref_slice %arg4[%add3A_34, %dma_start3A_63] : memref<2560x125xi32, #tpu.memory_space<hbm>> -> memref<80x125xi32, #tpu.memory_space<hbm>>
      tpu.enqueue_dma source(%dma_start3A_64 : memref<80x125xi32, #tpu.memory_space<hbm>>) target(%arg7 : memref<80x125xi32, #tpu.memory_space<vmem>>) target_semaphore(%run_scoped3A : memref<!tpu.dma_semaphore, #tpu.memory_space<semaphore_mem>>)
      %dma_wait3A_65 = arith.constant 0 : i32
      %dma_wait3A_66 = tpu.memref_slice %arg4[%add3A_34, %dma_wait3A_65] : memref<2560x125xi32, #tpu.memory_space<hbm>> -> memref<80x125xi32, #tpu.memory_space<hbm>>
      %dma_wait3A_67 = arith.constant 0 : i32
      %dma_wait3A_68 = tpu.memref_slice %arg4[%add3A_34, %dma_wait3A_67] : memref<2560x125xi32, #tpu.memory_space<hbm>> -> memref<80x125xi32, #tpu.memory_space<hbm>>
      tpu.wait_dma2 semaphore(%run_scoped3A : memref<!tpu.dma_semaphore, #tpu.memory_space<semaphore_mem>>) src(%dma_wait3A_68 : memref<80x125xi32, #tpu.memory_space<hbm>>) dst(%arg7 : memref<80x125xi32, #tpu.memory_space<vmem>>)
      tpu.yield
    }) : () -> ()
    %dma_start3A = arith.constant 0 : i32
    %dma_start3A_35 = arith.constant 0 : i32
    %dma_start3A_36 = tpu.memref_slice %arg6[%dma_start3A, %dma_start3A_35] : memref<80x125xi32, #tpu.memory_space<vmem>> -> memref<1x125xi32, #tpu.memory_space<vmem>>
    %dma_start3A_37 = tpu.memref_squeeze %dma_start3A_36 : memref<1x125xi32, #tpu.memory_space<vmem>> -> memref<125xi32, #tpu.memory_space<vmem>>
    %dma_start3A_38 = arith.constant 0 : i32
    %dma_start3A_39 = arith.constant 0 : i32
    %dma_start3A_40 = tpu.memref_slice %arg2[%dma_start3A_38, %dma_start3A_39] : memref<10000x48xf32, #tpu.memory_space<hbm>> -> memref<10000x48xf32, #tpu.memory_space<hbm>>
    tpu.enqueue_indirect_dma source(%dma_start3A_40 : memref<10000x48xf32, #tpu.memory_space<hbm>>) target(%arg8 : memref<125x48xf32, #tpu.memory_space<vmem>>) offsets(%dma_start3A_37 : memref<125xi32, #tpu.memory_space<vmem>>) semaphore(%arg11 : memref<!tpu.dma_semaphore, #tpu.memory_space<semaphore_mem>>)
    %scan3A_41 = arith.constant 0 : i32
    %scan3A_42 = arith.constant 0 : i32
    %scan3A_43 = arith.constant 40 : i32
    %scan3A_44 = arith.addi %scan3A_42, %scan3A_43 : i32
    %scan3A_45 = arith.constant 1 : i32
    scf.for %scan3A_61 = %scan3A_42 to %scan3A_44 step %scan3A_45  : i32 {
      %mul3A_62 = arith.constant 2 : i32
      %mul3A_63 = arith.muli %mul3A_62, %scan3A_61 : i32
      %add3A_64 = arith.constant 2 : i32
      %add3A_65 = arith.addi %mul3A_63, %add3A_64 : i32
      %min3A = arith.constant 79 : i32
      %min3A_66 = arith.minsi %add3A_65, %min3A : i32
      %add3A_67 = arith.constant 1 : i32
      %add3A_68 = arith.addi %mul3A_63, %add3A_67 : i32
      %dma_start3A_69 = arith.constant 0 : i32
      %dma_start3A_70 = tpu.memref_slice %arg6[%add3A_68, %dma_start3A_69] : memref<80x125xi32, #tpu.memory_space<vmem>> -> memref<1x125xi32, #tpu.memory_space<vmem>>
      %dma_start3A_71 = tpu.memref_squeeze %dma_start3A_70 : memref<1x125xi32, #tpu.memory_space<vmem>> -> memref<125xi32, #tpu.memory_space<vmem>>
      %dma_start3A_72 = arith.constant 0 : i32
      %dma_start3A_73 = arith.constant 0 : i32
      %dma_start3A_74 = tpu.memref_slice %arg2[%dma_start3A_72, %dma_start3A_73] : memref<10000x48xf32, #tpu.memory_space<hbm>> -> memref<10000x48xf32, #tpu.memory_space<hbm>>
      tpu.enqueue_indirect_dma source(%dma_start3A_74 : memref<10000x48xf32, #tpu.memory_space<hbm>>) target(%arg9 : memref<125x48xf32, #tpu.memory_space<vmem>>) offsets(%dma_start3A_71 : memref<125xi32, #tpu.memory_space<vmem>>) semaphore(%arg12 : memref<!tpu.dma_semaphore, #tpu.memory_space<semaphore_mem>>)
      %dma_wait3A_75 = arith.constant 0 : i32
      %dma_wait3A_76 = tpu.memref_slice %arg6[%mul3A_63, %dma_wait3A_75] : memref<80x125xi32, #tpu.memory_space<vmem>> -> memref<1x125xi32, #tpu.memory_space<vmem>>
      %dma_wait3A_77 = tpu.memref_squeeze %dma_wait3A_76 : memref<1x125xi32, #tpu.memory_space<vmem>> -> memref<125xi32, #tpu.memory_space<vmem>>
      %dma_wait3A_78 = arith.constant 0 : i32
      %dma_wait3A_79 = arith.constant 0 : i32
      %dma_wait3A_80 = tpu.memref_slice %arg2[%dma_wait3A_78, %dma_wait3A_79] : memref<10000x48xf32, #tpu.memory_space<hbm>> -> memref<10000x48xf32, #tpu.memory_space<hbm>>
      tpu.wait_indirect_dma semaphore(%arg11 : memref<!tpu.dma_semaphore, #tpu.memory_space<semaphore_mem>>) src(%dma_wait3A_80 : memref<10000x48xf32, #tpu.memory_space<hbm>>) dst(%arg8 : memref<125x48xf32, #tpu.memory_space<vmem>>)
      "tpu.region"() ({
        %run_scoped3A = tpu.sem_alloc : memref<!tpu.dma_semaphore, #tpu.memory_space<semaphore_mem>>
        %dma_start3A_97 = arith.constant 0 : i32
        %dma_start3A_98 = tpu.memref_slice %arg7[%mul3A_63, %dma_start3A_97] : memref<80x125xi32, #tpu.memory_space<vmem>> -> memref<1x125xi32, #tpu.memory_space<vmem>>
        %dma_start3A_99 = tpu.memref_squeeze %dma_start3A_98 : memref<1x125xi32, #tpu.memory_space<vmem>> -> memref<125xi32, #tpu.memory_space<vmem>>
        %dma_start3A_100 = arith.constant 0 : i32
        %dma_start3A_101 = arith.constant 0 : i32
        %dma_start3A_102 = tpu.memref_slice %arg10[%dma_start3A_100, %dma_start3A_101] : memref<10000x48xf32, #tpu.memory_space<vmem_shared>> -> memref<10000x48xf32, #tpu.memory_space<vmem_shared>>
        tpu.enqueue_indirect_dma source(%arg8 : memref<125x48xf32, #tpu.memory_space<vmem>>) target(%dma_start3A_102 : memref<10000x48xf32, #tpu.memory_space<vmem_shared>>) offsets(%dma_start3A_99 : memref<125xi32, #tpu.memory_space<vmem>>) semaphore(%run_scoped3A : memref<!tpu.dma_semaphore, #tpu.memory_space<semaphore_mem>>) {add = true}
        %dma_wait3A_103 = arith.constant 0 : i32
        %dma_wait3A_104 = tpu.memref_slice %arg7[%mul3A_63, %dma_wait3A_103] : memref<80x125xi32, #tpu.memory_space<vmem>> -> memref<1x125xi32, #tpu.memory_space<vmem>>
        %dma_wait3A_105 = tpu.memref_squeeze %dma_wait3A_104 : memref<1x125xi32, #tpu.memory_space<vmem>> -> memref<125xi32, #tpu.memory_space<vmem>>
        %dma_wait3A_106 = arith.constant 0 : i32
        %dma_wait3A_107 = arith.constant 0 : i32
        %dma_wait3A_108 = tpu.memref_slice %arg10[%dma_wait3A_106, %dma_wait3A_107] : memref<10000x48xf32, #tpu.memory_space<vmem_shared>> -> memref<10000x48xf32, #tpu.memory_space<vmem_shared>>
        tpu.wait_indirect_dma semaphore(%run_scoped3A : memref<!tpu.dma_semaphore, #tpu.memory_space<semaphore_mem>>) src(%arg8 : memref<125x48xf32, #tpu.memory_space<vmem>>) dst(%dma_wait3A_108 : memref<10000x48xf32, #tpu.memory_space<vmem_shared>>)
        tpu.yield
      }) : () -> ()
      %dma_start3A_81 = arith.constant 0 : i32
      %dma_start3A_82 = tpu.memref_slice %arg6[%min3A_66, %dma_start3A_81] : memref<80x125xi32, #tpu.memory_space<vmem>> -> memref<1x125xi32, #tpu.memory_space<vmem>>
      %dma_start3A_83 = tpu.memref_squeeze %dma_start3A_82 : memref<1x125xi32, #tpu.memory_space<vmem>> -> memref<125xi32, #tpu.memory_space<vmem>>
      %dma_start3A_84 = arith.constant 0 : i32
      %dma_start3A_85 = arith.constant 0 : i32
      %dma_start3A_86 = tpu.memref_slice %arg2[%dma_start3A_84, %dma_start3A_85] : memref<10000x48xf32, #tpu.memory_space<hbm>> -> memref<10000x48xf32, #tpu.memory_space<hbm>>
      tpu.enqueue_indirect_dma source(%dma_start3A_86 : memref<10000x48xf32, #tpu.memory_space<hbm>>) target(%arg8 : memref<125x48xf32, #tpu.memory_space<vmem>>) offsets(%dma_start3A_83 : memref<125xi32, #tpu.memory_space<vmem>>) semaphore(%arg11 : memref<!tpu.dma_semaphore, #tpu.memory_space<semaphore_mem>>)
      %add3A_87 = arith.constant 1 : i32
      %add3A_88 = arith.addi %mul3A_63, %add3A_87 : i32
      %dma_wait3A_89 = arith.constant 0 : i32
      %dma_wait3A_90 = tpu.memref_slice %arg6[%add3A_88, %dma_wait3A_89] : memref<80x125xi32, #tpu.memory_space<vmem>> -> memref<1x125xi32, #tpu.memory_space<vmem>>
      %dma_wait3A_91 = tpu.memref_squeeze %dma_wait3A_90 : memref<1x125xi32, #tpu.memory_space<vmem>> -> memref<125xi32, #tpu.memory_space<vmem>>
      %dma_wait3A_92 = arith.constant 0 : i32
      %dma_wait3A_93 = arith.constant 0 : i32
      %dma_wait3A_94 = tpu.memref_slice %arg2[%dma_wait3A_92, %dma_wait3A_93] : memref<10000x48xf32, #tpu.memory_space<hbm>> -> memref<10000x48xf32, #tpu.memory_space<hbm>>
      tpu.wait_indirect_dma semaphore(%arg12 : memref<!tpu.dma_semaphore, #tpu.memory_space<semaphore_mem>>) src(%dma_wait3A_94 : memref<10000x48xf32, #tpu.memory_space<hbm>>) dst(%arg9 : memref<125x48xf32, #tpu.memory_space<vmem>>)
      %add3A_95 = arith.constant 1 : i32
      %add3A_96 = arith.addi %mul3A_63, %add3A_95 : i32
      "tpu.region"() ({
        %run_scoped3A = tpu.sem_alloc : memref<!tpu.dma_semaphore, #tpu.memory_space<semaphore_mem>>
        %dma_start3A_97 = arith.constant 0 : i32
        %dma_start3A_98 = tpu.memref_slice %arg7[%add3A_96, %dma_start3A_97] : memref<80x125xi32, #tpu.memory_space<vmem>> -> memref<1x125xi32, #tpu.memory_space<vmem>>
        %dma_start3A_99 = tpu.memref_squeeze %dma_start3A_98 : memref<1x125xi32, #tpu.memory_space<vmem>> -> memref<125xi32, #tpu.memory_space<vmem>>
        %dma_start3A_100 = arith.constant 0 : i32
        %dma_start3A_101 = arith.constant 0 : i32
        %dma_start3A_102 = tpu.memref_slice %arg10[%dma_start3A_100, %dma_start3A_101] : memref<10000x48xf32, #tpu.memory_space<vmem_shared>> -> memref<10000x48xf32, #tpu.memory_space<vmem_shared>>
        tpu.enqueue_indirect_dma source(%arg9 : memref<125x48xf32, #tpu.memory_space<vmem>>) target(%dma_start3A_102 : memref<10000x48xf32, #tpu.memory_space<vmem_shared>>) offsets(%dma_start3A_99 : memref<125xi32, #tpu.memory_space<vmem>>) semaphore(%run_scoped3A : memref<!tpu.dma_semaphore, #tpu.memory_space<semaphore_mem>>) {add = true}
        %dma_wait3A_103 = arith.constant 0 : i32
        %dma_wait3A_104 = tpu.memref_slice %arg7[%add3A_96, %dma_wait3A_103] : memref<80x125xi32, #tpu.memory_space<vmem>> -> memref<1x125xi32, #tpu.memory_space<vmem>>
        %dma_wait3A_105 = tpu.memref_squeeze %dma_wait3A_104 : memref<1x125xi32, #tpu.memory_space<vmem>> -> memref<125xi32, #tpu.memory_space<vmem>>
        %dma_wait3A_106 = arith.constant 0 : i32
        %dma_wait3A_107 = arith.constant 0 : i32
        %dma_wait3A_108 = tpu.memref_slice %arg10[%dma_wait3A_106, %dma_wait3A_107] : memref<10000x48xf32, #tpu.memory_space<vmem_shared>> -> memref<10000x48xf32, #tpu.memory_space<vmem_shared>>
        tpu.wait_indirect_dma semaphore(%run_scoped3A : memref<!tpu.dma_semaphore, #tpu.memory_space<semaphore_mem>>) src(%arg9 : memref<125x48xf32, #tpu.memory_space<vmem>>) dst(%dma_wait3A_108 : memref<10000x48xf32, #tpu.memory_space<vmem_shared>>)
        tpu.yield
      }) : () -> ()
    }
    %scan3A_46 = arith.constant 40 : i32
    %dma_wait3A = arith.constant 79 : i32
    %dma_wait3A_47 = arith.constant 0 : i32
    %dma_wait3A_48 = tpu.memref_slice %arg6[%dma_wait3A, %dma_wait3A_47] : memref<80x125xi32, #tpu.memory_space<vmem>> -> memref<1x125xi32, #tpu.memory_space<vmem>>
    %dma_wait3A_49 = tpu.memref_squeeze %dma_wait3A_48 : memref<1x125xi32, #tpu.memory_space<vmem>> -> memref<125xi32, #tpu.memory_space<vmem>>
    %dma_wait3A_50 = arith.constant 0 : i32
    %dma_wait3A_51 = arith.constant 0 : i32
    %dma_wait3A_52 = tpu.memref_slice %arg2[%dma_wait3A_50, %dma_wait3A_51] : memref<10000x48xf32, #tpu.memory_space<hbm>> -> memref<10000x48xf32, #tpu.memory_space<hbm>>
    tpu.wait_indirect_dma semaphore(%arg11 : memref<!tpu.dma_semaphore, #tpu.memory_space<semaphore_mem>>) src(%dma_wait3A_52 : memref<10000x48xf32, #tpu.memory_space<hbm>>) dst(%arg8 : memref<125x48xf32, #tpu.memory_space<vmem>>)
    %barrier3A_53 = arith.constant 0 : index
    tpu.barrier barrier_id(%barrier3A_53)
    %mul3A_54 = arith.constant 624 : i32
    %mul3A_55 = arith.muli %arg1, %mul3A_54 : i32
    %mul3A_56 = arith.constant 10000 : i32
    %mul3A_57 = arith.muli %arg0, %mul3A_56 : i32
    %mul3A_58 = arith.constant 624 : i32
    %mul3A_59 = arith.muli %arg1, %mul3A_58 : i32
    %add3A_60 = arith.addi %mul3A_57, %mul3A_59 : i32
    "tpu.region"() ({
      %run_scoped3A = tpu.sem_alloc : memref<!tpu.dma_semaphore, #tpu.memory_space<semaphore_mem>>
      %dma_start3A_61 = arith.constant 0 : i32
      %dma_start3A_62 = tpu.memref_slice %arg5[%add3A_60, %dma_start3A_61] : memref<20000x48xf32, #tpu.memory_space<hbm>> -> memref<640x48xf32, #tpu.memory_space<hbm>>
      %dma_start3A_63 = arith.constant 0 : i32
      %dma_start3A_64 = tpu.memref_slice %arg10[%mul3A_55, %dma_start3A_63] : memref<10000x48xf32, #tpu.memory_space<vmem_shared>> -> memref<640x48xf32, #tpu.memory_space<vmem_shared>>
      tpu.enqueue_dma source(%dma_start3A_64 : memref<640x48xf32, #tpu.memory_space<vmem_shared>>) target(%dma_start3A_62 : memref<640x48xf32, #tpu.memory_space<hbm>>) target_semaphore(%run_scoped3A : memref<!tpu.dma_semaphore, #tpu.memory_space<semaphore_mem>>)
      %dma_wait3A_65 = arith.constant 0 : i32
      %dma_wait3A_66 = tpu.memref_slice %arg5[%add3A_60, %dma_wait3A_65] : memref<20000x48xf32, #tpu.memory_space<hbm>> -> memref<640x48xf32, #tpu.memory_space<hbm>>
      %dma_wait3A_67 = arith.constant 0 : i32
      %dma_wait3A_68 = tpu.memref_slice %arg10[%mul3A_55, %dma_wait3A_67] : memref<10000x48xf32, #tpu.memory_space<vmem_shared>> -> memref<640x48xf32, #tpu.memory_space<vmem_shared>>
      tpu.wait_dma2 semaphore(%run_scoped3A : memref<!tpu.dma_semaphore, #tpu.memory_space<semaphore_mem>>) src(%dma_wait3A_68 : memref<640x48xf32, #tpu.memory_space<vmem_shared>>) dst(%dma_wait3A_66 : memref<640x48xf32, #tpu.memory_space<hbm>>)
      tpu.yield
    }) : () -> ()
    return
  }
}

#map = affine_map<(d0, d1) -> (0, 0)>
module attributes {stable_mosaic.version = 14 : i64} {
  func.func @segsum(%arg0: i32, %arg1: i32, %arg2: memref<10000x128xf32, #tpu.memory_space<hbm>>, %arg3: memref<2560x125xi32, #tpu.memory_space<hbm>>, %arg4: memref<2560x125xi32, #tpu.memory_space<hbm>>, %arg5: memref<20000x128xf32, #tpu.memory_space<hbm>>, %arg6: memref<40x125xi32, #tpu.memory_space<vmem>>, %arg7: memref<40x125xi32, #tpu.memory_space<vmem>>, %arg8: memref<125x128xf32, #tpu.memory_space<vmem>>, %arg9: memref<125x128xf32, #tpu.memory_space<vmem>>, %arg10: memref<10000x128xf32, #tpu.memory_space<vmem_shared>>, %arg11: memref<!tpu.dma_semaphore, #tpu.memory_space<semaphore_mem>>, %arg12: memref<!tpu.dma_semaphore, #tpu.memory_space<semaphore_mem>>) attributes {dimension_semantics = [#tpu.dimension_semantics<core_parallel>, #tpu.dimension_semantics<subcore_parallel>], iteration_bounds = array<i64: 2, 16>, scalar_prefetch = 0 : i64, scratch_operands = 7 : i64, tpu.core_type = #tpu.core_type<sc_vector_subcore>, window_params = [{transform_indices = #map}, {transform_indices = #map}, {transform_indices = #map}, {transform_indices = #map}]} {
    %mul3A = arith.constant 16 : i32
    %mul3A_0 = arith.muli %arg0, %mul3A : i32
    %add3A = arith.addi %mul3A_0, %arg1 : i32
    %broadcast_in_dim3A = arith.constant 0.000000e+00 : f32
    %broadcast_in_dim3A_1 = vector.broadcast %broadcast_in_dim3A : f32 to vector<16xf32>
    %scan3A = arith.constant 0 : i32
    %scan3A_2 = arith.constant 0 : i32
    %scan3A_3 = arith.constant 125 : i32
    %scan3A_4 = arith.addi %scan3A_2, %scan3A_3 : i32
    %scan3A_5 = arith.constant 1 : i32
    scf.for %scan3A_89 = %scan3A_2 to %scan3A_4 step %scan3A_5  : i32 {
      %swap3A = arith.index_cast %scan3A_89 : i32 to index
      %swap3A_90 = arith.constant 0 : index
      %swap3A_91 = tpu.vector_load %arg8[%swap3A, %swap3A_90] {strides = array<i32>} : memref<125x128xf32, #tpu.memory_space<vmem>>, vector<1x16xf32>,
      %swap3A_92 = vector.shape_cast %swap3A_91 : vector<1x16xf32> to vector<16xf32>
      %swap3A_93 = vector.shape_cast %broadcast_in_dim3A_1 : vector<16xf32> to vector<1x16xf32>
      tpu.vector_store %arg8[%swap3A, %swap3A_90], %swap3A_93 {strides = array<i32>} : memref<125x128xf32, #tpu.memory_space<vmem>>, vector<1x16xf32>,
      %swap3A_94 = arith.index_cast %scan3A_89 : i32 to index
      %swap3A_95 = arith.constant 16 : index
      %swap3A_96 = tpu.vector_load %arg8[%swap3A_94, %swap3A_95] {strides = array<i32>} : memref<125x128xf32, #tpu.memory_space<vmem>>, vector<1x16xf32>,
      %swap3A_97 = vector.shape_cast %swap3A_96 : vector<1x16xf32> to vector<16xf32>
      %swap3A_98 = vector.shape_cast %broadcast_in_dim3A_1 : vector<16xf32> to vector<1x16xf32>
      tpu.vector_store %arg8[%swap3A_94, %swap3A_95], %swap3A_98 {strides = array<i32>} : memref<125x128xf32, #tpu.memory_space<vmem>>, vector<1x16xf32>,
      %swap3A_99 = arith.index_cast %scan3A_89 : i32 to index
      %swap3A_100 = arith.constant 32 : index
      %swap3A_101 = tpu.vector_load %arg8[%swap3A_99, %swap3A_100] {strides = array<i32>} : memref<125x128xf32, #tpu.memory_space<vmem>>, vector<1x16xf32>,
      %swap3A_102 = vector.shape_cast %swap3A_101 : vector<1x16xf32> to vector<16xf32>
      %swap3A_103 = vector.shape_cast %broadcast_in_dim3A_1 : vector<16xf32> to vector<1x16xf32>
      tpu.vector_store %arg8[%swap3A_99, %swap3A_100], %swap3A_103 {strides = array<i32>} : memref<125x128xf32, #tpu.memory_space<vmem>>, vector<1x16xf32>,
      %swap3A_104 = arith.index_cast %scan3A_89 : i32 to index
      %swap3A_105 = arith.constant 48 : index
      %swap3A_106 = tpu.vector_load %arg8[%swap3A_104, %swap3A_105] {strides = array<i32>} : memref<125x128xf32, #tpu.memory_space<vmem>>, vector<1x16xf32>,
      %swap3A_107 = vector.shape_cast %swap3A_106 : vector<1x16xf32> to vector<16xf32>
      %swap3A_108 = vector.shape_cast %broadcast_in_dim3A_1 : vector<16xf32> to vector<1x16xf32>
      tpu.vector_store %arg8[%swap3A_104, %swap3A_105], %swap3A_108 {strides = array<i32>} : memref<125x128xf32, #tpu.memory_space<vmem>>, vector<1x16xf32>,
      %swap3A_109 = arith.index_cast %scan3A_89 : i32 to index
      %swap3A_110 = arith.constant 64 : index
      %swap3A_111 = tpu.vector_load %arg8[%swap3A_109, %swap3A_110] {strides = array<i32>} : memref<125x128xf32, #tpu.memory_space<vmem>>, vector<1x16xf32>,
      %swap3A_112 = vector.shape_cast %swap3A_111 : vector<1x16xf32> to vector<16xf32>
      %swap3A_113 = vector.shape_cast %broadcast_in_dim3A_1 : vector<16xf32> to vector<1x16xf32>
      tpu.vector_store %arg8[%swap3A_109, %swap3A_110], %swap3A_113 {strides = array<i32>} : memref<125x128xf32, #tpu.memory_space<vmem>>, vector<1x16xf32>,
      %swap3A_114 = arith.index_cast %scan3A_89 : i32 to index
      %swap3A_115 = arith.constant 80 : index
      %swap3A_116 = tpu.vector_load %arg8[%swap3A_114, %swap3A_115] {strides = array<i32>} : memref<125x128xf32, #tpu.memory_space<vmem>>, vector<1x16xf32>,
      %swap3A_117 = vector.shape_cast %swap3A_116 : vector<1x16xf32> to vector<16xf32>
      %swap3A_118 = vector.shape_cast %broadcast_in_dim3A_1 : vector<16xf32> to vector<1x16xf32>
      tpu.vector_store %arg8[%swap3A_114, %swap3A_115], %swap3A_118 {strides = array<i32>} : memref<125x128xf32, #tpu.memory_space<vmem>>, vector<1x16xf32>,
      %swap3A_119 = arith.index_cast %scan3A_89 : i32 to index
      %swap3A_120 = arith.constant 96 : index
      %swap3A_121 = tpu.vector_load %arg8[%swap3A_119, %swap3A_120] {strides = array<i32>} : memref<125x128xf32, #tpu.memory_space<vmem>>, vector<1x16xf32>,
      %swap3A_122 = vector.shape_cast %swap3A_121 : vector<1x16xf32> to vector<16xf32>
      %swap3A_123 = vector.shape_cast %broadcast_in_dim3A_1 : vector<16xf32> to vector<1x16xf32>
      tpu.vector_store %arg8[%swap3A_119, %swap3A_120], %swap3A_123 {strides = array<i32>} : memref<125x128xf32, #tpu.memory_space<vmem>>, vector<1x16xf32>,
      %swap3A_124 = arith.index_cast %scan3A_89 : i32 to index
      %swap3A_125 = arith.constant 112 : index
      %swap3A_126 = tpu.vector_load %arg8[%swap3A_124, %swap3A_125] {strides = array<i32>} : memref<125x128xf32, #tpu.memory_space<vmem>>, vector<1x16xf32>,
      %swap3A_127 = vector.shape_cast %swap3A_126 : vector<1x16xf32> to vector<16xf32>
      %swap3A_128 = vector.shape_cast %broadcast_in_dim3A_1 : vector<16xf32> to vector<1x16xf32>
      tpu.vector_store %arg8[%swap3A_124, %swap3A_125], %swap3A_128 {strides = array<i32>} : memref<125x128xf32, #tpu.memory_space<vmem>>, vector<1x16xf32>,
    }
    %scan3A_6 = arith.constant 125 : i32
    %mul3A_7 = arith.constant 625 : i32
    %mul3A_8 = arith.muli %arg1, %mul3A_7 : i32
    %add3A_9 = arith.constant 0 : i32
    %add3A_10 = arith.addi %mul3A_8, %add3A_9 : i32
    "tpu.region"() ({
      %run_scoped3A = tpu.sem_alloc : memref<!tpu.dma_semaphore, #tpu.memory_space<semaphore_mem>>
      %dma_start3A_89 = arith.constant 0 : i32
      %dma_start3A_90 = tpu.memref_slice %arg10[%add3A_10, %dma_start3A_89] : memref<10000x128xf32, #tpu.memory_space<vmem_shared>> -> memref<125x128xf32, #tpu.memory_space<vmem_shared>>
      %dma_start3A_91 = arith.constant 0 : i32
      %dma_start3A_92 = tpu.memref_slice %arg10[%add3A_10, %dma_start3A_91] : memref<10000x128xf32, #tpu.memory_space<vmem_shared>> -> memref<125x128xf32, #tpu.memory_space<vmem_shared>>
      tpu.enqueue_dma source(%arg8 : memref<125x128xf32, #tpu.memory_space<vmem>>) target(%dma_start3A_92 : memref<125x128xf32, #tpu.memory_space<vmem_shared>>) target_semaphore(%run_scoped3A : memref<!tpu.dma_semaphore, #tpu.memory_space<semaphore_mem>>)
      %dma_wait3A_93 = arith.constant 0 : i32
      %dma_wait3A_94 = tpu.memref_slice %arg10[%add3A_10, %dma_wait3A_93] : memref<10000x128xf32, #tpu.memory_space<vmem_shared>> -> memref<125x128xf32, #tpu.memory_space<vmem_shared>>
      %dma_wait3A_95 = arith.constant 0 : i32
      %dma_wait3A_96 = tpu.memref_slice %arg10[%add3A_10, %dma_wait3A_95] : memref<10000x128xf32, #tpu.memory_space<vmem_shared>> -> memref<125x128xf32, #tpu.memory_space<vmem_shared>>
      tpu.wait_dma2 semaphore(%run_scoped3A : memref<!tpu.dma_semaphore, #tpu.memory_space<semaphore_mem>>) src(%arg8 : memref<125x128xf32, #tpu.memory_space<vmem>>) dst(%dma_wait3A_96 : memref<125x128xf32, #tpu.memory_space<vmem_shared>>)
      tpu.yield
    }) : () -> ()
    %mul3A_11 = arith.constant 625 : i32
    %mul3A_12 = arith.muli %arg1, %mul3A_11 : i32
    %add3A_13 = arith.constant 125 : i32
    %add3A_14 = arith.addi %mul3A_12, %add3A_13 : i32
    "tpu.region"() ({
      %run_scoped3A = tpu.sem_alloc : memref<!tpu.dma_semaphore, #tpu.memory_space<semaphore_mem>>
      %dma_start3A_89 = arith.constant 0 : i32
      %dma_start3A_90 = tpu.memref_slice %arg10[%add3A_14, %dma_start3A_89] : memref<10000x128xf32, #tpu.memory_space<vmem_shared>> -> memref<125x128xf32, #tpu.memory_space<vmem_shared>>
      %dma_start3A_91 = arith.constant 0 : i32
      %dma_start3A_92 = tpu.memref_slice %arg10[%add3A_14, %dma_start3A_91] : memref<10000x128xf32, #tpu.memory_space<vmem_shared>> -> memref<125x128xf32, #tpu.memory_space<vmem_shared>>
      tpu.enqueue_dma source(%arg8 : memref<125x128xf32, #tpu.memory_space<vmem>>) target(%dma_start3A_92 : memref<125x128xf32, #tpu.memory_space<vmem_shared>>) target_semaphore(%run_scoped3A : memref<!tpu.dma_semaphore, #tpu.memory_space<semaphore_mem>>)
      %dma_wait3A_93 = arith.constant 0 : i32
      %dma_wait3A_94 = tpu.memref_slice %arg10[%add3A_14, %dma_wait3A_93] : memref<10000x128xf32, #tpu.memory_space<vmem_shared>> -> memref<125x128xf32, #tpu.memory_space<vmem_shared>>
      %dma_wait3A_95 = arith.constant 0 : i32
      %dma_wait3A_96 = tpu.memref_slice %arg10[%add3A_14, %dma_wait3A_95] : memref<10000x128xf32, #tpu.memory_space<vmem_shared>> -> memref<125x128xf32, #tpu.memory_space<vmem_shared>>
      tpu.wait_dma2 semaphore(%run_scoped3A : memref<!tpu.dma_semaphore, #tpu.memory_space<semaphore_mem>>) src(%arg8 : memref<125x128xf32, #tpu.memory_space<vmem>>) dst(%dma_wait3A_96 : memref<125x128xf32, #tpu.memory_space<vmem_shared>>)
      tpu.yield
    }) : () -> ()
    %mul3A_15 = arith.constant 625 : i32
    %mul3A_16 = arith.muli %arg1, %mul3A_15 : i32
    %add3A_17 = arith.constant 250 : i32
    %add3A_18 = arith.addi %mul3A_16, %add3A_17 : i32
    "tpu.region"() ({
      %run_scoped3A = tpu.sem_alloc : memref<!tpu.dma_semaphore, #tpu.memory_space<semaphore_mem>>
      %dma_start3A_89 = arith.constant 0 : i32
      %dma_start3A_90 = tpu.memref_slice %arg10[%add3A_18, %dma_start3A_89] : memref<10000x128xf32, #tpu.memory_space<vmem_shared>> -> memref<125x128xf32, #tpu.memory_space<vmem_shared>>
      %dma_start3A_91 = arith.constant 0 : i32
      %dma_start3A_92 = tpu.memref_slice %arg10[%add3A_18, %dma_start3A_91] : memref<10000x128xf32, #tpu.memory_space<vmem_shared>> -> memref<125x128xf32, #tpu.memory_space<vmem_shared>>
      tpu.enqueue_dma source(%arg8 : memref<125x128xf32, #tpu.memory_space<vmem>>) target(%dma_start3A_92 : memref<125x128xf32, #tpu.memory_space<vmem_shared>>) target_semaphore(%run_scoped3A : memref<!tpu.dma_semaphore, #tpu.memory_space<semaphore_mem>>)
      %dma_wait3A_93 = arith.constant 0 : i32
      %dma_wait3A_94 = tpu.memref_slice %arg10[%add3A_18, %dma_wait3A_93] : memref<10000x128xf32, #tpu.memory_space<vmem_shared>> -> memref<125x128xf32, #tpu.memory_space<vmem_shared>>
      %dma_wait3A_95 = arith.constant 0 : i32
      %dma_wait3A_96 = tpu.memref_slice %arg10[%add3A_18, %dma_wait3A_95] : memref<10000x128xf32, #tpu.memory_space<vmem_shared>> -> memref<125x128xf32, #tpu.memory_space<vmem_shared>>
      tpu.wait_dma2 semaphore(%run_scoped3A : memref<!tpu.dma_semaphore, #tpu.memory_space<semaphore_mem>>) src(%arg8 : memref<125x128xf32, #tpu.memory_space<vmem>>) dst(%dma_wait3A_96 : memref<125x128xf32, #tpu.memory_space<vmem_shared>>)
      tpu.yield
    }) : () -> ()
    %mul3A_19 = arith.constant 625 : i32
    %mul3A_20 = arith.muli %arg1, %mul3A_19 : i32
    %add3A_21 = arith.constant 375 : i32
    %add3A_22 = arith.addi %mul3A_20, %add3A_21 : i32
    "tpu.region"() ({
      %run_scoped3A = tpu.sem_alloc : memref<!tpu.dma_semaphore, #tpu.memory_space<semaphore_mem>>
      %dma_start3A_89 = arith.constant 0 : i32
      %dma_start3A_90 = tpu.memref_slice %arg10[%add3A_22, %dma_start3A_89] : memref<10000x128xf32, #tpu.memory_space<vmem_shared>> -> memref<125x128xf32, #tpu.memory_space<vmem_shared>>
      %dma_start3A_91 = arith.constant 0 : i32
      %dma_start3A_92 = tpu.memref_slice %arg10[%add3A_22, %dma_start3A_91] : memref<10000x128xf32, #tpu.memory_space<vmem_shared>> -> memref<125x128xf32, #tpu.memory_space<vmem_shared>>
      tpu.enqueue_dma source(%arg8 : memref<125x128xf32, #tpu.memory_space<vmem>>) target(%dma_start3A_92 : memref<125x128xf32, #tpu.memory_space<vmem_shared>>) target_semaphore(%run_scoped3A : memref<!tpu.dma_semaphore, #tpu.memory_space<semaphore_mem>>)
      %dma_wait3A_93 = arith.constant 0 : i32
      %dma_wait3A_94 = tpu.memref_slice %arg10[%add3A_22, %dma_wait3A_93] : memref<10000x128xf32, #tpu.memory_space<vmem_shared>> -> memref<125x128xf32, #tpu.memory_space<vmem_shared>>
      %dma_wait3A_95 = arith.constant 0 : i32
      %dma_wait3A_96 = tpu.memref_slice %arg10[%add3A_22, %dma_wait3A_95] : memref<10000x128xf32, #tpu.memory_space<vmem_shared>> -> memref<125x128xf32, #tpu.memory_space<vmem_shared>>
      tpu.wait_dma2 semaphore(%run_scoped3A : memref<!tpu.dma_semaphore, #tpu.memory_space<semaphore_mem>>) src(%arg8 : memref<125x128xf32, #tpu.memory_space<vmem>>) dst(%dma_wait3A_96 : memref<125x128xf32, #tpu.memory_space<vmem_shared>>)
      tpu.yield
    }) : () -> ()
    %mul3A_23 = arith.constant 625 : i32
    %mul3A_24 = arith.muli %arg1, %mul3A_23 : i32
    %add3A_25 = arith.constant 500 : i32
    %add3A_26 = arith.addi %mul3A_24, %add3A_25 : i32
    "tpu.region"() ({
      %run_scoped3A = tpu.sem_alloc : memref<!tpu.dma_semaphore, #tpu.memory_space<semaphore_mem>>
      %dma_start3A_89 = arith.constant 0 : i32
      %dma_start3A_90 = tpu.memref_slice %arg10[%add3A_26, %dma_start3A_89] : memref<10000x128xf32, #tpu.memory_space<vmem_shared>> -> memref<125x128xf32, #tpu.memory_space<vmem_shared>>
      %dma_start3A_91 = arith.constant 0 : i32
      %dma_start3A_92 = tpu.memref_slice %arg10[%add3A_26, %dma_start3A_91] : memref<10000x128xf32, #tpu.memory_space<vmem_shared>> -> memref<125x128xf32, #tpu.memory_space<vmem_shared>>
      tpu.enqueue_dma source(%arg8 : memref<125x128xf32, #tpu.memory_space<vmem>>) target(%dma_start3A_92 : memref<125x128xf32, #tpu.memory_space<vmem_shared>>) target_semaphore(%run_scoped3A : memref<!tpu.dma_semaphore, #tpu.memory_space<semaphore_mem>>)
      %dma_wait3A_93 = arith.constant 0 : i32
      %dma_wait3A_94 = tpu.memref_slice %arg10[%add3A_26, %dma_wait3A_93] : memref<10000x128xf32, #tpu.memory_space<vmem_shared>> -> memref<125x128xf32, #tpu.memory_space<vmem_shared>>
      %dma_wait3A_95 = arith.constant 0 : i32
      %dma_wait3A_96 = tpu.memref_slice %arg10[%add3A_26, %dma_wait3A_95] : memref<10000x128xf32, #tpu.memory_space<vmem_shared>> -> memref<125x128xf32, #tpu.memory_space<vmem_shared>>
      tpu.wait_dma2 semaphore(%run_scoped3A : memref<!tpu.dma_semaphore, #tpu.memory_space<semaphore_mem>>) src(%arg8 : memref<125x128xf32, #tpu.memory_space<vmem>>) dst(%dma_wait3A_96 : memref<125x128xf32, #tpu.memory_space<vmem_shared>>)
      tpu.yield
    }) : () -> ()
    %barrier3A = arith.constant 0 : index
    tpu.barrier barrier_id(%barrier3A)
    %mul3A_27 = arith.constant 80 : i32
    %mul3A_28 = arith.muli %add3A, %mul3A_27 : i32
    %add3A_29 = arith.constant 0 : i32
    %add3A_30 = arith.addi %mul3A_28, %add3A_29 : i32
    "tpu.region"() ({
      %run_scoped3A = tpu.sem_alloc : memref<!tpu.dma_semaphore, #tpu.memory_space<semaphore_mem>>
      %dma_start3A_89 = arith.constant 0 : i32
      %dma_start3A_90 = tpu.memref_slice %arg3[%add3A_30, %dma_start3A_89] : memref<2560x125xi32, #tpu.memory_space<hbm>> -> memref<40x125xi32, #tpu.memory_space<hbm>>
      %dma_start3A_91 = arith.constant 0 : i32
      %dma_start3A_92 = tpu.memref_slice %arg3[%add3A_30, %dma_start3A_91] : memref<2560x125xi32, #tpu.memory_space<hbm>> -> memref<40x125xi32, #tpu.memory_space<hbm>>
      tpu.enqueue_dma source(%dma_start3A_92 : memref<40x125xi32, #tpu.memory_space<hbm>>) target(%arg6 : memref<40x125xi32, #tpu.memory_space<vmem>>) target_semaphore(%run_scoped3A : memref<!tpu.dma_semaphore, #tpu.memory_space<semaphore_mem>>)
      %dma_wait3A_93 = arith.constant 0 : i32
      %dma_wait3A_94 = tpu.memref_slice %arg3[%add3A_30, %dma_wait3A_93] : memref<2560x125xi32, #tpu.memory_space<hbm>> -> memref<40x125xi32, #tpu.memory_space<hbm>>
      %dma_wait3A_95 = arith.constant 0 : i32
      %dma_wait3A_96 = tpu.memref_slice %arg3[%add3A_30, %dma_wait3A_95] : memref<2560x125xi32, #tpu.memory_space<hbm>> -> memref<40x125xi32, #tpu.memory_space<hbm>>
      tpu.wait_dma2 semaphore(%run_scoped3A : memref<!tpu.dma_semaphore, #tpu.memory_space<semaphore_mem>>) src(%dma_wait3A_96 : memref<40x125xi32, #tpu.memory_space<hbm>>) dst(%arg6 : memref<40x125xi32, #tpu.memory_space<vmem>>)
      tpu.yield
    }) : () -> ()
    %mul3A_31 = arith.constant 80 : i32
    %mul3A_32 = arith.muli %add3A, %mul3A_31 : i32
    %add3A_33 = arith.constant 0 : i32
    %add3A_34 = arith.addi %mul3A_32, %add3A_33 : i32
    "tpu.region"() ({
      %run_scoped3A = tpu.sem_alloc : memref<!tpu.dma_semaphore, #tpu.memory_space<semaphore_mem>>
      %dma_start3A_89 = arith.constant 0 : i32
      %dma_start3A_90 = tpu.memref_slice %arg4[%add3A_34, %dma_start3A_89] : memref<2560x125xi32, #tpu.memory_space<hbm>> -> memref<40x125xi32, #tpu.memory_space<hbm>>
      %dma_start3A_91 = arith.constant 0 : i32
      %dma_start3A_92 = tpu.memref_slice %arg4[%add3A_34, %dma_start3A_91] : memref<2560x125xi32, #tpu.memory_space<hbm>> -> memref<40x125xi32, #tpu.memory_space<hbm>>
      tpu.enqueue_dma source(%dma_start3A_92 : memref<40x125xi32, #tpu.memory_space<hbm>>) target(%arg7 : memref<40x125xi32, #tpu.memory_space<vmem>>) target_semaphore(%run_scoped3A : memref<!tpu.dma_semaphore, #tpu.memory_space<semaphore_mem>>)
      %dma_wait3A_93 = arith.constant 0 : i32
      %dma_wait3A_94 = tpu.memref_slice %arg4[%add3A_34, %dma_wait3A_93] : memref<2560x125xi32, #tpu.memory_space<hbm>> -> memref<40x125xi32, #tpu.memory_space<hbm>>
      %dma_wait3A_95 = arith.constant 0 : i32
      %dma_wait3A_96 = tpu.memref_slice %arg4[%add3A_34, %dma_wait3A_95] : memref<2560x125xi32, #tpu.memory_space<hbm>> -> memref<40x125xi32, #tpu.memory_space<hbm>>
      tpu.wait_dma2 semaphore(%run_scoped3A : memref<!tpu.dma_semaphore, #tpu.memory_space<semaphore_mem>>) src(%dma_wait3A_96 : memref<40x125xi32, #tpu.memory_space<hbm>>) dst(%arg7 : memref<40x125xi32, #tpu.memory_space<vmem>>)
      tpu.yield
    }) : () -> ()
    %dma_start3A = arith.constant 0 : i32
    %dma_start3A_35 = arith.constant 0 : i32
    %dma_start3A_36 = tpu.memref_slice %arg6[%dma_start3A, %dma_start3A_35] : memref<40x125xi32, #tpu.memory_space<vmem>> -> memref<1x125xi32, #tpu.memory_space<vmem>>
    %dma_start3A_37 = tpu.memref_squeeze %dma_start3A_36 : memref<1x125xi32, #tpu.memory_space<vmem>> -> memref<125xi32, #tpu.memory_space<vmem>>
    %dma_start3A_38 = arith.constant 0 : i32
    %dma_start3A_39 = arith.constant 0 : i32
    %dma_start3A_40 = tpu.memref_slice %arg2[%dma_start3A_38, %dma_start3A_39] : memref<10000x128xf32, #tpu.memory_space<hbm>> -> memref<10000x128xf32, #tpu.memory_space<hbm>>
    tpu.enqueue_indirect_dma source(%dma_start3A_40 : memref<10000x128xf32, #tpu.memory_space<hbm>>) target(%arg8 : memref<125x128xf32, #tpu.memory_space<vmem>>) offsets(%dma_start3A_37 : memref<125xi32, #tpu.memory_space<vmem>>) semaphore(%arg11 : memref<!tpu.dma_semaphore, #tpu.memory_space<semaphore_mem>>)
    %scan3A_41 = arith.constant 0 : i32
    %scan3A_42 = arith.constant 0 : i32
    %scan3A_43 = arith.constant 20 : i32
    %scan3A_44 = arith.addi %scan3A_42, %scan3A_43 : i32
    %scan3A_45 = arith.constant 1 : i32
    scf.for %scan3A_89 = %scan3A_42 to %scan3A_44 step %scan3A_45  : i32 {
      %mul3A_90 = arith.constant 2 : i32
      %mul3A_91 = arith.muli %mul3A_90, %scan3A_89 : i32
      %add3A_92 = arith.constant 2 : i32
      %add3A_93 = arith.addi %mul3A_91, %add3A_92 : i32
      %min3A = arith.constant 39 : i32
      %min3A_94 = arith.minsi %add3A_93, %min3A : i32
      %add3A_95 = arith.constant 1 : i32
      %add3A_96 = arith.addi %mul3A_91, %add3A_95 : i32
      %dma_start3A_97 = arith.constant 0 : i32
      %dma_start3A_98 = tpu.memref_slice %arg6[%add3A_96, %dma_start3A_97] : memref<40x125xi32, #tpu.memory_space<vmem>> -> memref<1x125xi32, #tpu.memory_space<vmem>>
      %dma_start3A_99 = tpu.memref_squeeze %dma_start3A_98 : memref<1x125xi32, #tpu.memory_space<vmem>> -> memref<125xi32, #tpu.memory_space<vmem>>
      %dma_start3A_100 = arith.constant 0 : i32
      %dma_start3A_101 = arith.constant 0 : i32
      %dma_start3A_102 = tpu.memref_slice %arg2[%dma_start3A_100, %dma_start3A_101] : memref<10000x128xf32, #tpu.memory_space<hbm>> -> memref<10000x128xf32, #tpu.memory_space<hbm>>
      tpu.enqueue_indirect_dma source(%dma_start3A_102 : memref<10000x128xf32, #tpu.memory_space<hbm>>) target(%arg9 : memref<125x128xf32, #tpu.memory_space<vmem>>) offsets(%dma_start3A_99 : memref<125xi32, #tpu.memory_space<vmem>>) semaphore(%arg12 : memref<!tpu.dma_semaphore, #tpu.memory_space<semaphore_mem>>)
      %dma_wait3A_103 = arith.constant 0 : i32
      %dma_wait3A_104 = tpu.memref_slice %arg6[%mul3A_91, %dma_wait3A_103] : memref<40x125xi32, #tpu.memory_space<vmem>> -> memref<1x125xi32, #tpu.memory_space<vmem>>
      %dma_wait3A_105 = tpu.memref_squeeze %dma_wait3A_104 : memref<1x125xi32, #tpu.memory_space<vmem>> -> memref<125xi32, #tpu.memory_space<vmem>>
      %dma_wait3A_106 = arith.constant 0 : i32
      %dma_wait3A_107 = arith.constant 0 : i32
      %dma_wait3A_108 = tpu.memref_slice %arg2[%dma_wait3A_106, %dma_wait3A_107] : memref<10000x128xf32, #tpu.memory_space<hbm>> -> memref<10000x128xf32, #tpu.memory_space<hbm>>
      tpu.wait_indirect_dma semaphore(%arg11 : memref<!tpu.dma_semaphore, #tpu.memory_space<semaphore_mem>>) src(%dma_wait3A_108 : memref<10000x128xf32, #tpu.memory_space<hbm>>) dst(%arg8 : memref<125x128xf32, #tpu.memory_space<vmem>>)
      "tpu.region"() ({
        %run_scoped3A = tpu.sem_alloc : memref<!tpu.dma_semaphore, #tpu.memory_space<semaphore_mem>>
        %dma_start3A_125 = arith.constant 0 : i32
        %dma_start3A_126 = tpu.memref_slice %arg7[%mul3A_91, %dma_start3A_125] : memref<40x125xi32, #tpu.memory_space<vmem>> -> memref<1x125xi32, #tpu.memory_space<vmem>>
        %dma_start3A_127 = tpu.memref_squeeze %dma_start3A_126 : memref<1x125xi32, #tpu.memory_space<vmem>> -> memref<125xi32, #tpu.memory_space<vmem>>
        %dma_start3A_128 = arith.constant 0 : i32
        %dma_start3A_129 = arith.constant 0 : i32
        %dma_start3A_130 = tpu.memref_slice %arg10[%dma_start3A_128, %dma_start3A_129] : memref<10000x128xf32, #tpu.memory_space<vmem_shared>> -> memref<10000x128xf32, #tpu.memory_space<vmem_shared>>
        tpu.enqueue_indirect_dma source(%arg8 : memref<125x128xf32, #tpu.memory_space<vmem>>) target(%dma_start3A_130 : memref<10000x128xf32, #tpu.memory_space<vmem_shared>>) offsets(%dma_start3A_127 : memref<125xi32, #tpu.memory_space<vmem>>) semaphore(%run_scoped3A : memref<!tpu.dma_semaphore, #tpu.memory_space<semaphore_mem>>) {add = true}
        %dma_wait3A_131 = arith.constant 0 : i32
        %dma_wait3A_132 = tpu.memref_slice %arg7[%mul3A_91, %dma_wait3A_131] : memref<40x125xi32, #tpu.memory_space<vmem>> -> memref<1x125xi32, #tpu.memory_space<vmem>>
        %dma_wait3A_133 = tpu.memref_squeeze %dma_wait3A_132 : memref<1x125xi32, #tpu.memory_space<vmem>> -> memref<125xi32, #tpu.memory_space<vmem>>
        %dma_wait3A_134 = arith.constant 0 : i32
        %dma_wait3A_135 = arith.constant 0 : i32
        %dma_wait3A_136 = tpu.memref_slice %arg10[%dma_wait3A_134, %dma_wait3A_135] : memref<10000x128xf32, #tpu.memory_space<vmem_shared>> -> memref<10000x128xf32, #tpu.memory_space<vmem_shared>>
        tpu.wait_indirect_dma semaphore(%run_scoped3A : memref<!tpu.dma_semaphore, #tpu.memory_space<semaphore_mem>>) src(%arg8 : memref<125x128xf32, #tpu.memory_space<vmem>>) dst(%dma_wait3A_136 : memref<10000x128xf32, #tpu.memory_space<vmem_shared>>)
        tpu.yield
      }) : () -> ()
      %dma_start3A_109 = arith.constant 0 : i32
      %dma_start3A_110 = tpu.memref_slice %arg6[%min3A_94, %dma_start3A_109] : memref<40x125xi32, #tpu.memory_space<vmem>> -> memref<1x125xi32, #tpu.memory_space<vmem>>
      %dma_start3A_111 = tpu.memref_squeeze %dma_start3A_110 : memref<1x125xi32, #tpu.memory_space<vmem>> -> memref<125xi32, #tpu.memory_space<vmem>>
      %dma_start3A_112 = arith.constant 0 : i32
      %dma_start3A_113 = arith.constant 0 : i32
      %dma_start3A_114 = tpu.memref_slice %arg2[%dma_start3A_112, %dma_start3A_113] : memref<10000x128xf32, #tpu.memory_space<hbm>> -> memref<10000x128xf32, #tpu.memory_space<hbm>>
      tpu.enqueue_indirect_dma source(%dma_start3A_114 : memref<10000x128xf32, #tpu.memory_space<hbm>>) target(%arg8 : memref<125x128xf32, #tpu.memory_space<vmem>>) offsets(%dma_start3A_111 : memref<125xi32, #tpu.memory_space<vmem>>) semaphore(%arg11 : memref<!tpu.dma_semaphore, #tpu.memory_space<semaphore_mem>>)
      %add3A_115 = arith.constant 1 : i32
      %add3A_116 = arith.addi %mul3A_91, %add3A_115 : i32
      %dma_wait3A_117 = arith.constant 0 : i32
      %dma_wait3A_118 = tpu.memref_slice %arg6[%add3A_116, %dma_wait3A_117] : memref<40x125xi32, #tpu.memory_space<vmem>> -> memref<1x125xi32, #tpu.memory_space<vmem>>
      %dma_wait3A_119 = tpu.memref_squeeze %dma_wait3A_118 : memref<1x125xi32, #tpu.memory_space<vmem>> -> memref<125xi32, #tpu.memory_space<vmem>>
      %dma_wait3A_120 = arith.constant 0 : i32
      %dma_wait3A_121 = arith.constant 0 : i32
      %dma_wait3A_122 = tpu.memref_slice %arg2[%dma_wait3A_120, %dma_wait3A_121] : memref<10000x128xf32, #tpu.memory_space<hbm>> -> memref<10000x128xf32, #tpu.memory_space<hbm>>
      tpu.wait_indirect_dma semaphore(%arg12 : memref<!tpu.dma_semaphore, #tpu.memory_space<semaphore_mem>>) src(%dma_wait3A_122 : memref<10000x128xf32, #tpu.memory_space<hbm>>) dst(%arg9 : memref<125x128xf32, #tpu.memory_space<vmem>>)
      %add3A_123 = arith.constant 1 : i32
      %add3A_124 = arith.addi %mul3A_91, %add3A_123 : i32
      "tpu.region"() ({
        %run_scoped3A = tpu.sem_alloc : memref<!tpu.dma_semaphore, #tpu.memory_space<semaphore_mem>>
        %dma_start3A_125 = arith.constant 0 : i32
        %dma_start3A_126 = tpu.memref_slice %arg7[%add3A_124, %dma_start3A_125] : memref<40x125xi32, #tpu.memory_space<vmem>> -> memref<1x125xi32, #tpu.memory_space<vmem>>
        %dma_start3A_127 = tpu.memref_squeeze %dma_start3A_126 : memref<1x125xi32, #tpu.memory_space<vmem>> -> memref<125xi32, #tpu.memory_space<vmem>>
        %dma_start3A_128 = arith.constant 0 : i32
        %dma_start3A_129 = arith.constant 0 : i32
        %dma_start3A_130 = tpu.memref_slice %arg10[%dma_start3A_128, %dma_start3A_129] : memref<10000x128xf32, #tpu.memory_space<vmem_shared>> -> memref<10000x128xf32, #tpu.memory_space<vmem_shared>>
        tpu.enqueue_indirect_dma source(%arg9 : memref<125x128xf32, #tpu.memory_space<vmem>>) target(%dma_start3A_130 : memref<10000x128xf32, #tpu.memory_space<vmem_shared>>) offsets(%dma_start3A_127 : memref<125xi32, #tpu.memory_space<vmem>>) semaphore(%run_scoped3A : memref<!tpu.dma_semaphore, #tpu.memory_space<semaphore_mem>>) {add = true}
        %dma_wait3A_131 = arith.constant 0 : i32
        %dma_wait3A_132 = tpu.memref_slice %arg7[%add3A_124, %dma_wait3A_131] : memref<40x125xi32, #tpu.memory_space<vmem>> -> memref<1x125xi32, #tpu.memory_space<vmem>>
        %dma_wait3A_133 = tpu.memref_squeeze %dma_wait3A_132 : memref<1x125xi32, #tpu.memory_space<vmem>> -> memref<125xi32, #tpu.memory_space<vmem>>
        %dma_wait3A_134 = arith.constant 0 : i32
        %dma_wait3A_135 = arith.constant 0 : i32
        %dma_wait3A_136 = tpu.memref_slice %arg10[%dma_wait3A_134, %dma_wait3A_135] : memref<10000x128xf32, #tpu.memory_space<vmem_shared>> -> memref<10000x128xf32, #tpu.memory_space<vmem_shared>>
        tpu.wait_indirect_dma semaphore(%run_scoped3A : memref<!tpu.dma_semaphore, #tpu.memory_space<semaphore_mem>>) src(%arg9 : memref<125x128xf32, #tpu.memory_space<vmem>>) dst(%dma_wait3A_136 : memref<10000x128xf32, #tpu.memory_space<vmem_shared>>)
        tpu.yield
      }) : () -> ()
    }
    %scan3A_46 = arith.constant 20 : i32
    %dma_wait3A = arith.constant 39 : i32
    %dma_wait3A_47 = arith.constant 0 : i32
    %dma_wait3A_48 = tpu.memref_slice %arg6[%dma_wait3A, %dma_wait3A_47] : memref<40x125xi32, #tpu.memory_space<vmem>> -> memref<1x125xi32, #tpu.memory_space<vmem>>
    %dma_wait3A_49 = tpu.memref_squeeze %dma_wait3A_48 : memref<1x125xi32, #tpu.memory_space<vmem>> -> memref<125xi32, #tpu.memory_space<vmem>>
    %dma_wait3A_50 = arith.constant 0 : i32
    %dma_wait3A_51 = arith.constant 0 : i32
    %dma_wait3A_52 = tpu.memref_slice %arg2[%dma_wait3A_50, %dma_wait3A_51] : memref<10000x128xf32, #tpu.memory_space<hbm>> -> memref<10000x128xf32, #tpu.memory_space<hbm>>
    tpu.wait_indirect_dma semaphore(%arg11 : memref<!tpu.dma_semaphore, #tpu.memory_space<semaphore_mem>>) src(%dma_wait3A_52 : memref<10000x128xf32, #tpu.memory_space<hbm>>) dst(%arg8 : memref<125x128xf32, #tpu.memory_space<vmem>>)
    %mul3A_53 = arith.constant 80 : i32
    %mul3A_54 = arith.muli %add3A, %mul3A_53 : i32
    %add3A_55 = arith.constant 40 : i32
    %add3A_56 = arith.addi %mul3A_54, %add3A_55 : i32
    "tpu.region"() ({
      %run_scoped3A = tpu.sem_alloc : memref<!tpu.dma_semaphore, #tpu.memory_space<semaphore_mem>>
      %dma_start3A_89 = arith.constant 0 : i32
      %dma_start3A_90 = tpu.memref_slice %arg3[%add3A_56, %dma_start3A_89] : memref<2560x125xi32, #tpu.memory_space<hbm>> -> memref<40x125xi32, #tpu.memory_space<hbm>>
      %dma_start3A_91 = arith.constant 0 : i32
      %dma_start3A_92 = tpu.memref_slice %arg3[%add3A_56, %dma_start3A_91] : memref<2560x125xi32, #tpu.memory_space<hbm>> -> memref<40x125xi32, #tpu.memory_space<hbm>>
      tpu.enqueue_dma source(%dma_start3A_92 : memref<40x125xi32, #tpu.memory_space<hbm>>) target(%arg6 : memref<40x125xi32, #tpu.memory_space<vmem>>) target_semaphore(%run_scoped3A : memref<!tpu.dma_semaphore, #tpu.memory_space<semaphore_mem>>)
      %dma_wait3A_93 = arith.constant 0 : i32
      %dma_wait3A_94 = tpu.memref_slice %arg3[%add3A_56, %dma_wait3A_93] : memref<2560x125xi32, #tpu.memory_space<hbm>> -> memref<40x125xi32, #tpu.memory_space<hbm>>
      %dma_wait3A_95 = arith.constant 0 : i32
      %dma_wait3A_96 = tpu.memref_slice %arg3[%add3A_56, %dma_wait3A_95] : memref<2560x125xi32, #tpu.memory_space<hbm>> -> memref<40x125xi32, #tpu.memory_space<hbm>>
      tpu.wait_dma2 semaphore(%run_scoped3A : memref<!tpu.dma_semaphore, #tpu.memory_space<semaphore_mem>>) src(%dma_wait3A_96 : memref<40x125xi32, #tpu.memory_space<hbm>>) dst(%arg6 : memref<40x125xi32, #tpu.memory_space<vmem>>)
      tpu.yield
    }) : () -> ()
    %mul3A_57 = arith.constant 80 : i32
    %mul3A_58 = arith.muli %add3A, %mul3A_57 : i32
    %add3A_59 = arith.constant 40 : i32
    %add3A_60 = arith.addi %mul3A_58, %add3A_59 : i32
    "tpu.region"() ({
      %run_scoped3A = tpu.sem_alloc : memref<!tpu.dma_semaphore, #tpu.memory_space<semaphore_mem>>
      %dma_start3A_89 = arith.constant 0 : i32
      %dma_start3A_90 = tpu.memref_slice %arg4[%add3A_60, %dma_start3A_89] : memref<2560x125xi32, #tpu.memory_space<hbm>> -> memref<40x125xi32, #tpu.memory_space<hbm>>
      %dma_start3A_91 = arith.constant 0 : i32
      %dma_start3A_92 = tpu.memref_slice %arg4[%add3A_60, %dma_start3A_91] : memref<2560x125xi32, #tpu.memory_space<hbm>> -> memref<40x125xi32, #tpu.memory_space<hbm>>
      tpu.enqueue_dma source(%dma_start3A_92 : memref<40x125xi32, #tpu.memory_space<hbm>>) target(%arg7 : memref<40x125xi32, #tpu.memory_space<vmem>>) target_semaphore(%run_scoped3A : memref<!tpu.dma_semaphore, #tpu.memory_space<semaphore_mem>>)
      %dma_wait3A_93 = arith.constant 0 : i32
      %dma_wait3A_94 = tpu.memref_slice %arg4[%add3A_60, %dma_wait3A_93] : memref<2560x125xi32, #tpu.memory_space<hbm>> -> memref<40x125xi32, #tpu.memory_space<hbm>>
      %dma_wait3A_95 = arith.constant 0 : i32
      %dma_wait3A_96 = tpu.memref_slice %arg4[%add3A_60, %dma_wait3A_95] : memref<2560x125xi32, #tpu.memory_space<hbm>> -> memref<40x125xi32, #tpu.memory_space<hbm>>
      tpu.wait_dma2 semaphore(%run_scoped3A : memref<!tpu.dma_semaphore, #tpu.memory_space<semaphore_mem>>) src(%dma_wait3A_96 : memref<40x125xi32, #tpu.memory_space<hbm>>) dst(%arg7 : memref<40x125xi32, #tpu.memory_space<vmem>>)
      tpu.yield
    }) : () -> ()
    %dma_start3A_61 = arith.constant 0 : i32
    %dma_start3A_62 = arith.constant 0 : i32
    %dma_start3A_63 = tpu.memref_slice %arg6[%dma_start3A_61, %dma_start3A_62] : memref<40x125xi32, #tpu.memory_space<vmem>> -> memref<1x125xi32, #tpu.memory_space<vmem>>
    %dma_start3A_64 = tpu.memref_squeeze %dma_start3A_63 : memref<1x125xi32, #tpu.memory_space<vmem>> -> memref<125xi32, #tpu.memory_space<vmem>>
    %dma_start3A_65 = arith.constant 0 : i32
    %dma_start3A_66 = arith.constant 0 : i32
    %dma_start3A_67 = tpu.memref_slice %arg2[%dma_start3A_65, %dma_start3A_66] : memref<10000x128xf32, #tpu.memory_space<hbm>> -> memref<10000x128xf32, #tpu.memory_space<hbm>>
    tpu.enqueue_indirect_dma source(%dma_start3A_67 : memref<10000x128xf32, #tpu.memory_space<hbm>>) target(%arg8 : memref<125x128xf32, #tpu.memory_space<vmem>>) offsets(%dma_start3A_64 : memref<125xi32, #tpu.memory_space<vmem>>) semaphore(%arg11 : memref<!tpu.dma_semaphore, #tpu.memory_space<semaphore_mem>>)
    %scan3A_68 = arith.constant 0 : i32
    %scan3A_69 = arith.constant 0 : i32
    %scan3A_70 = arith.constant 20 : i32
    %scan3A_71 = arith.addi %scan3A_69, %scan3A_70 : i32
    %scan3A_72 = arith.constant 1 : i32
    scf.for %scan3A_89 = %scan3A_69 to %scan3A_71 step %scan3A_72  : i32 {
      %mul3A_90 = arith.constant 2 : i32
      %mul3A_91 = arith.muli %mul3A_90, %scan3A_89 : i32
      %add3A_92 = arith.constant 2 : i32
      %add3A_93 = arith.addi %mul3A_91, %add3A_92 : i32
      %min3A = arith.constant 39 : i32
      %min3A_94 = arith.minsi %add3A_93, %min3A : i32
      %add3A_95 = arith.constant 1 : i32
      %add3A_96 = arith.addi %mul3A_91, %add3A_95 : i32
      %dma_start3A_97 = arith.constant 0 : i32
      %dma_start3A_98 = tpu.memref_slice %arg6[%add3A_96, %dma_start3A_97] : memref<40x125xi32, #tpu.memory_space<vmem>> -> memref<1x125xi32, #tpu.memory_space<vmem>>
      %dma_start3A_99 = tpu.memref_squeeze %dma_start3A_98 : memref<1x125xi32, #tpu.memory_space<vmem>> -> memref<125xi32, #tpu.memory_space<vmem>>
      %dma_start3A_100 = arith.constant 0 : i32
      %dma_start3A_101 = arith.constant 0 : i32
      %dma_start3A_102 = tpu.memref_slice %arg2[%dma_start3A_100, %dma_start3A_101] : memref<10000x128xf32, #tpu.memory_space<hbm>> -> memref<10000x128xf32, #tpu.memory_space<hbm>>
      tpu.enqueue_indirect_dma source(%dma_start3A_102 : memref<10000x128xf32, #tpu.memory_space<hbm>>) target(%arg9 : memref<125x128xf32, #tpu.memory_space<vmem>>) offsets(%dma_start3A_99 : memref<125xi32, #tpu.memory_space<vmem>>) semaphore(%arg12 : memref<!tpu.dma_semaphore, #tpu.memory_space<semaphore_mem>>)
      %dma_wait3A_103 = arith.constant 0 : i32
      %dma_wait3A_104 = tpu.memref_slice %arg6[%mul3A_91, %dma_wait3A_103] : memref<40x125xi32, #tpu.memory_space<vmem>> -> memref<1x125xi32, #tpu.memory_space<vmem>>
      %dma_wait3A_105 = tpu.memref_squeeze %dma_wait3A_104 : memref<1x125xi32, #tpu.memory_space<vmem>> -> memref<125xi32, #tpu.memory_space<vmem>>
      %dma_wait3A_106 = arith.constant 0 : i32
      %dma_wait3A_107 = arith.constant 0 : i32
      %dma_wait3A_108 = tpu.memref_slice %arg2[%dma_wait3A_106, %dma_wait3A_107] : memref<10000x128xf32, #tpu.memory_space<hbm>> -> memref<10000x128xf32, #tpu.memory_space<hbm>>
      tpu.wait_indirect_dma semaphore(%arg11 : memref<!tpu.dma_semaphore, #tpu.memory_space<semaphore_mem>>) src(%dma_wait3A_108 : memref<10000x128xf32, #tpu.memory_space<hbm>>) dst(%arg8 : memref<125x128xf32, #tpu.memory_space<vmem>>)
      "tpu.region"() ({
        %run_scoped3A = tpu.sem_alloc : memref<!tpu.dma_semaphore, #tpu.memory_space<semaphore_mem>>
        %dma_start3A_125 = arith.constant 0 : i32
        %dma_start3A_126 = tpu.memref_slice %arg7[%mul3A_91, %dma_start3A_125] : memref<40x125xi32, #tpu.memory_space<vmem>> -> memref<1x125xi32, #tpu.memory_space<vmem>>
        %dma_start3A_127 = tpu.memref_squeeze %dma_start3A_126 : memref<1x125xi32, #tpu.memory_space<vmem>> -> memref<125xi32, #tpu.memory_space<vmem>>
        %dma_start3A_128 = arith.constant 0 : i32
        %dma_start3A_129 = arith.constant 0 : i32
        %dma_start3A_130 = tpu.memref_slice %arg10[%dma_start3A_128, %dma_start3A_129] : memref<10000x128xf32, #tpu.memory_space<vmem_shared>> -> memref<10000x128xf32, #tpu.memory_space<vmem_shared>>
        tpu.enqueue_indirect_dma source(%arg8 : memref<125x128xf32, #tpu.memory_space<vmem>>) target(%dma_start3A_130 : memref<10000x128xf32, #tpu.memory_space<vmem_shared>>) offsets(%dma_start3A_127 : memref<125xi32, #tpu.memory_space<vmem>>) semaphore(%run_scoped3A : memref<!tpu.dma_semaphore, #tpu.memory_space<semaphore_mem>>) {add = true}
        %dma_wait3A_131 = arith.constant 0 : i32
        %dma_wait3A_132 = tpu.memref_slice %arg7[%mul3A_91, %dma_wait3A_131] : memref<40x125xi32, #tpu.memory_space<vmem>> -> memref<1x125xi32, #tpu.memory_space<vmem>>
        %dma_wait3A_133 = tpu.memref_squeeze %dma_wait3A_132 : memref<1x125xi32, #tpu.memory_space<vmem>> -> memref<125xi32, #tpu.memory_space<vmem>>
        %dma_wait3A_134 = arith.constant 0 : i32
        %dma_wait3A_135 = arith.constant 0 : i32
        %dma_wait3A_136 = tpu.memref_slice %arg10[%dma_wait3A_134, %dma_wait3A_135] : memref<10000x128xf32, #tpu.memory_space<vmem_shared>> -> memref<10000x128xf32, #tpu.memory_space<vmem_shared>>
        tpu.wait_indirect_dma semaphore(%run_scoped3A : memref<!tpu.dma_semaphore, #tpu.memory_space<semaphore_mem>>) src(%arg8 : memref<125x128xf32, #tpu.memory_space<vmem>>) dst(%dma_wait3A_136 : memref<10000x128xf32, #tpu.memory_space<vmem_shared>>)
        tpu.yield
      }) : () -> ()
      %dma_start3A_109 = arith.constant 0 : i32
      %dma_start3A_110 = tpu.memref_slice %arg6[%min3A_94, %dma_start3A_109] : memref<40x125xi32, #tpu.memory_space<vmem>> -> memref<1x125xi32, #tpu.memory_space<vmem>>
      %dma_start3A_111 = tpu.memref_squeeze %dma_start3A_110 : memref<1x125xi32, #tpu.memory_space<vmem>> -> memref<125xi32, #tpu.memory_space<vmem>>
      %dma_start3A_112 = arith.constant 0 : i32
      %dma_start3A_113 = arith.constant 0 : i32
      %dma_start3A_114 = tpu.memref_slice %arg2[%dma_start3A_112, %dma_start3A_113] : memref<10000x128xf32, #tpu.memory_space<hbm>> -> memref<10000x128xf32, #tpu.memory_space<hbm>>
      tpu.enqueue_indirect_dma source(%dma_start3A_114 : memref<10000x128xf32, #tpu.memory_space<hbm>>) target(%arg8 : memref<125x128xf32, #tpu.memory_space<vmem>>) offsets(%dma_start3A_111 : memref<125xi32, #tpu.memory_space<vmem>>) semaphore(%arg11 : memref<!tpu.dma_semaphore, #tpu.memory_space<semaphore_mem>>)
      %add3A_115 = arith.constant 1 : i32
      %add3A_116 = arith.addi %mul3A_91, %add3A_115 : i32
      %dma_wait3A_117 = arith.constant 0 : i32
      %dma_wait3A_118 = tpu.memref_slice %arg6[%add3A_116, %dma_wait3A_117] : memref<40x125xi32, #tpu.memory_space<vmem>> -> memref<1x125xi32, #tpu.memory_space<vmem>>
      %dma_wait3A_119 = tpu.memref_squeeze %dma_wait3A_118 : memref<1x125xi32, #tpu.memory_space<vmem>> -> memref<125xi32, #tpu.memory_space<vmem>>
      %dma_wait3A_120 = arith.constant 0 : i32
      %dma_wait3A_121 = arith.constant 0 : i32
      %dma_wait3A_122 = tpu.memref_slice %arg2[%dma_wait3A_120, %dma_wait3A_121] : memref<10000x128xf32, #tpu.memory_space<hbm>> -> memref<10000x128xf32, #tpu.memory_space<hbm>>
      tpu.wait_indirect_dma semaphore(%arg12 : memref<!tpu.dma_semaphore, #tpu.memory_space<semaphore_mem>>) src(%dma_wait3A_122 : memref<10000x128xf32, #tpu.memory_space<hbm>>) dst(%arg9 : memref<125x128xf32, #tpu.memory_space<vmem>>)
      %add3A_123 = arith.constant 1 : i32
      %add3A_124 = arith.addi %mul3A_91, %add3A_123 : i32
      "tpu.region"() ({
        %run_scoped3A = tpu.sem_alloc : memref<!tpu.dma_semaphore, #tpu.memory_space<semaphore_mem>>
        %dma_start3A_125 = arith.constant 0 : i32
        %dma_start3A_126 = tpu.memref_slice %arg7[%add3A_124, %dma_start3A_125] : memref<40x125xi32, #tpu.memory_space<vmem>> -> memref<1x125xi32, #tpu.memory_space<vmem>>
        %dma_start3A_127 = tpu.memref_squeeze %dma_start3A_126 : memref<1x125xi32, #tpu.memory_space<vmem>> -> memref<125xi32, #tpu.memory_space<vmem>>
        %dma_start3A_128 = arith.constant 0 : i32
        %dma_start3A_129 = arith.constant 0 : i32
        %dma_start3A_130 = tpu.memref_slice %arg10[%dma_start3A_128, %dma_start3A_129] : memref<10000x128xf32, #tpu.memory_space<vmem_shared>> -> memref<10000x128xf32, #tpu.memory_space<vmem_shared>>
        tpu.enqueue_indirect_dma source(%arg9 : memref<125x128xf32, #tpu.memory_space<vmem>>) target(%dma_start3A_130 : memref<10000x128xf32, #tpu.memory_space<vmem_shared>>) offsets(%dma_start3A_127 : memref<125xi32, #tpu.memory_space<vmem>>) semaphore(%run_scoped3A : memref<!tpu.dma_semaphore, #tpu.memory_space<semaphore_mem>>) {add = true}
        %dma_wait3A_131 = arith.constant 0 : i32
        %dma_wait3A_132 = tpu.memref_slice %arg7[%add3A_124, %dma_wait3A_131] : memref<40x125xi32, #tpu.memory_space<vmem>> -> memref<1x125xi32, #tpu.memory_space<vmem>>
        %dma_wait3A_133 = tpu.memref_squeeze %dma_wait3A_132 : memref<1x125xi32, #tpu.memory_space<vmem>> -> memref<125xi32, #tpu.memory_space<vmem>>
        %dma_wait3A_134 = arith.constant 0 : i32
        %dma_wait3A_135 = arith.constant 0 : i32
        %dma_wait3A_136 = tpu.memref_slice %arg10[%dma_wait3A_134, %dma_wait3A_135] : memref<10000x128xf32, #tpu.memory_space<vmem_shared>> -> memref<10000x128xf32, #tpu.memory_space<vmem_shared>>
        tpu.wait_indirect_dma semaphore(%run_scoped3A : memref<!tpu.dma_semaphore, #tpu.memory_space<semaphore_mem>>) src(%arg9 : memref<125x128xf32, #tpu.memory_space<vmem>>) dst(%dma_wait3A_136 : memref<10000x128xf32, #tpu.memory_space<vmem_shared>>)
        tpu.yield
      }) : () -> ()
    }
    %scan3A_73 = arith.constant 20 : i32
    %dma_wait3A_74 = arith.constant 39 : i32
    %dma_wait3A_75 = arith.constant 0 : i32
    %dma_wait3A_76 = tpu.memref_slice %arg6[%dma_wait3A_74, %dma_wait3A_75] : memref<40x125xi32, #tpu.memory_space<vmem>> -> memref<1x125xi32, #tpu.memory_space<vmem>>
    %dma_wait3A_77 = tpu.memref_squeeze %dma_wait3A_76 : memref<1x125xi32, #tpu.memory_space<vmem>> -> memref<125xi32, #tpu.memory_space<vmem>>
    %dma_wait3A_78 = arith.constant 0 : i32
    %dma_wait3A_79 = arith.constant 0 : i32
    %dma_wait3A_80 = tpu.memref_slice %arg2[%dma_wait3A_78, %dma_wait3A_79] : memref<10000x128xf32, #tpu.memory_space<hbm>> -> memref<10000x128xf32, #tpu.memory_space<hbm>>
    tpu.wait_indirect_dma semaphore(%arg11 : memref<!tpu.dma_semaphore, #tpu.memory_space<semaphore_mem>>) src(%dma_wait3A_80 : memref<10000x128xf32, #tpu.memory_space<hbm>>) dst(%arg8 : memref<125x128xf32, #tpu.memory_space<vmem>>)
    %barrier3A_81 = arith.constant 0 : index
    tpu.barrier barrier_id(%barrier3A_81)
    %mul3A_82 = arith.constant 624 : i32
    %mul3A_83 = arith.muli %arg1, %mul3A_82 : i32
    %mul3A_84 = arith.constant 10000 : i32
    %mul3A_85 = arith.muli %arg0, %mul3A_84 : i32
    %mul3A_86 = arith.constant 624 : i32
    %mul3A_87 = arith.muli %arg1, %mul3A_86 : i32
    %add3A_88 = arith.addi %mul3A_85, %mul3A_87 : i32
    "tpu.region"() ({
      %run_scoped3A = tpu.sem_alloc : memref<!tpu.dma_semaphore, #tpu.memory_space<semaphore_mem>>
      %dma_start3A_89 = arith.constant 0 : i32
      %dma_start3A_90 = tpu.memref_slice %arg5[%add3A_88, %dma_start3A_89] : memref<20000x128xf32, #tpu.memory_space<hbm>> -> memref<640x128xf32, #tpu.memory_space<hbm>>
      %dma_start3A_91 = arith.constant 0 : i32
      %dma_start3A_92 = tpu.memref_slice %arg10[%mul3A_83, %dma_start3A_91] : memref<10000x128xf32, #tpu.memory_space<vmem_shared>> -> memref<640x128xf32, #tpu.memory_space<vmem_shared>>
      tpu.enqueue_dma source(%dma_start3A_92 : memref<640x128xf32, #tpu.memory_space<vmem_shared>>) target(%dma_start3A_90 : memref<640x128xf32, #tpu.memory_space<hbm>>) target_semaphore(%run_scoped3A : memref<!tpu.dma_semaphore, #tpu.memory_space<semaphore_mem>>)
      %dma_wait3A_93 = arith.constant 0 : i32
      %dma_wait3A_94 = tpu.memref_slice %arg5[%add3A_88, %dma_wait3A_93] : memref<20000x128xf32, #tpu.memory_space<hbm>> -> memref<640x128xf32, #tpu.memory_space<hbm>>
      %dma_wait3A_95 = arith.constant 0 : i32
      %dma_wait3A_96 = tpu.memref_slice %arg10[%mul3A_83, %dma_wait3A_95] : memref<10000x128xf32, #tpu.memory_space<vmem_shared>> -> memref<640x128xf32, #tpu.memory_space<vmem_shared>>
      tpu.wait_dma2 semaphore(%run_scoped3A : memref<!tpu.dma_semaphore, #tpu.memory_space<semaphore_mem>>) src(%dma_wait3A_96 : memref<640x128xf32, #tpu.memory_space<vmem_shared>>) dst(%dma_wait3A_94 : memref<640x128xf32, #tpu.memory_space<hbm>>)
      tpu.yield
    }) : () -> ()
    return
  }
}

module attributes {stable_mosaic.version = 14 : i64} {
  func.func @body(%arg0: i32, %arg1: memref<5000x128xf32, #tpu.memory_space<vmem>>, %arg2: memref<128x128xf32, #tpu.memory_space<vmem>>, %arg3: memref<2x5000x16xf32, #tpu.memory_space<vmem>>, %arg4: memref<5000x128xf32, #tpu.memory_space<vmem>>, %arg5: memref<5000x1xf32, #tpu.memory_space<vmem>>) attributes {dimension_semantics = [#tpu.dimension_semantics<arbitrary>], iteration_bounds = array<i64: 2>, scalar_prefetch = 0 : i64, scratch_operands = 0 : i64, tpu.core_type = #tpu.core_type<tc>, window_params = [{transform_indices = @transform_0, window_bounds = array<i64: 5000, 128>}, {pipeline_mode = #tpu.pipeline_mode<synchronous>, transform_indices = @transform_1, window_bounds = array<i64: 128, 128>}, {transform_indices = @transform_2, window_bounds = array<i64: 2, 5000, 16>}, {transform_indices = @transform_3, window_bounds = array<i64: 5000, 128>}, {transform_indices = @transform_4, window_bounds = array<i64: 5000, 1>}]} {
    %get3A = arith.constant 0 : index
    %get3A_0 = arith.constant 0 : index
    %get3A_1 = arith.constant 0 : index
    %get3A_2 = vector.load %arg3[%get3A, %get3A_0, %get3A_1] : memref<2x5000x16xf32, #tpu.memory_space<vmem>>, vector<1x5000x1xf32>
    %get3A_3 = vector.shape_cast %get3A_2 : vector<1x5000x1xf32> to vector<5000x1xf32>
    %get3A_4 = arith.constant 1 : index
    %get3A_5 = arith.constant 0 : index
    %get3A_6 = arith.constant 0 : index
    %get3A_7 = vector.load %arg3[%get3A_4, %get3A_5, %get3A_6] : memref<2x5000x16xf32, #tpu.memory_space<vmem>>, vector<1x5000x1xf32>
    %get3A_8 = vector.shape_cast %get3A_7 : vector<1x5000x1xf32> to vector<5000x1xf32>
    %add3A = arith.addf %get3A_3, %get3A_8 : vector<5000x1xf32>
    %add3A_9 = arith.constant 1.000000e+00 : f32
    %add3A_10 = vector.broadcast %add3A_9 : f32 to vector<5000x1xf32>
    %add3A_11 = arith.addf %add3A, %add3A_10 : vector<5000x1xf32>
    %rsqrt3A = math.rsqrt %add3A_11 : vector<5000x1xf32>
    %get3A_12 = arith.constant 0 : index
    %get3A_13 = arith.constant 0 : index
    %get3A_14 = vector.load %arg1[%get3A_12, %get3A_13] : memref<5000x128xf32, #tpu.memory_space<vmem>>, vector<5000x128xf32>
    %get3A_15 = arith.constant 0 : index
    %get3A_16 = arith.constant 0 : index
    %get3A_17 = vector.load %arg2[%get3A_15, %get3A_16] : memref<128x128xf32, #tpu.memory_space<vmem>>, vector<128x128xf32>
    %dot_general3A = arith.constant dense<0.000000e+00> : vector<5000x128xf32>
    %dot_general3A_18 = tpu.matmul %get3A_14, %get3A_17, %dot_general3A {dimension_numbers = #tpu.dot_dimension_numbers<[1], [0], [0], [1], [0, 0, 1, 1], [], []>, transpose_lhs_hint = false} : vector<5000x128xf32>, vector<128x128xf32>, vector<5000x128xf32> -> vector<5000x128xf32>
    %mul3A = vector.broadcast %rsqrt3A : vector<5000x1xf32> to vector<5000x128xf32>
    %mul3A_19 = arith.mulf %dot_general3A_18, %mul3A : vector<5000x128xf32>
    %swap3A = arith.constant 0 : index
    %swap3A_20 = arith.constant 0 : index
    %swap3A_21 = vector.load %arg4[%swap3A, %swap3A_20] : memref<5000x128xf32, #tpu.memory_space<vmem>>, vector<5000x128xf32>
    tpu.vector_store %arg4[%swap3A, %swap3A_20], %mul3A_19 {strides = array<i32>} : memref<5000x128xf32, #tpu.memory_space<vmem>>, vector<5000x128xf32>,
    %swap3A_22 = arith.constant 0 : index
    %swap3A_23 = arith.constant 0 : index
    %swap3A_24 = vector.load %arg5[%swap3A_22, %swap3A_23] : memref<5000x1xf32, #tpu.memory_space<vmem>>, vector<5000x1xf32>
    tpu.vector_store %arg5[%swap3A_22, %swap3A_23], %rsqrt3A {strides = array<i32>} : memref<5000x1xf32, #tpu.memory_space<vmem>>, vector<5000x1xf32>,
    return
  }
  func.func @transform_0(%arg0: i32) -> (i32, i32) {
    %c0_i32 = arith.constant 0 : i32
    %c0_i32_0 = arith.constant 0 : i32
    return %arg0, %c0_i32 : i32, i32
  }
  func.func @transform_1(%arg0: i32) -> (i32, i32) {
    %c0_i32 = arith.constant 0 : i32
    %c0_i32_0 = arith.constant 0 : i32
    %c0_i32_1 = arith.constant 0 : i32
    return %c0_i32, %c0_i32_0 : i32, i32
  }
  func.func @transform_2(%arg0: i32) -> (i32, i32, i32) {
    %c0_i32 = arith.constant 0 : i32
    %c0_i32_0 = arith.constant 0 : i32
    %c0_i32_1 = arith.constant 0 : i32
    return %c0_i32, %arg0, %c0_i32_0 : i32, i32, i32
  }
  func.func @transform_3(%arg0: i32) -> (i32, i32) {
    %c0_i32 = arith.constant 0 : i32
    %c0_i32_0 = arith.constant 0 : i32
    return %arg0, %c0_i32 : i32, i32
  }
  func.func @transform_4(%arg0: i32) -> (i32, i32) {
    %c0_i32 = arith.constant 0 : i32
    %c0_i32_0 = arith.constant 0 : i32
    return %arg0, %c0_i32 : i32, i32
  }
}

module attributes {stable_mosaic.version = 14 : i64} {
  func.func @body(%arg0: i32, %arg1: memref<2x5000x128xf32, #tpu.memory_space<vmem>>, %arg2: memref<5000x128xf32, #tpu.memory_space<vmem>>, %arg3: memref<5000x1xf32, #tpu.memory_space<vmem>>, %arg4: memref<1x128xf32, #tpu.memory_space<vmem>>, %arg5: memref<128x48xf32, #tpu.memory_space<vmem>>, %arg6: memref<5000x48xf32, #tpu.memory_space<vmem>>) attributes {dimension_semantics = [#tpu.dimension_semantics<arbitrary>], iteration_bounds = array<i64: 2>, scalar_prefetch = 0 : i64, scratch_operands = 0 : i64, tpu.core_type = #tpu.core_type<tc>, window_params = [{transform_indices = @transform_0, window_bounds = array<i64: 2, 5000, 128>}, {transform_indices = @transform_1, window_bounds = array<i64: 5000, 128>}, {transform_indices = @transform_2, window_bounds = array<i64: 5000, 1>}, {pipeline_mode = #tpu.pipeline_mode<synchronous>, transform_indices = @transform_3, window_bounds = array<i64: 1, 128>}, {pipeline_mode = #tpu.pipeline_mode<synchronous>, transform_indices = @transform_4, window_bounds = array<i64: 128, 48>}, {transform_indices = @transform_5, window_bounds = array<i64: 5000, 48>}]} {
    %get3A = arith.constant 0 : index
    %get3A_0 = arith.constant 0 : index
    %get3A_1 = vector.load %arg3[%get3A, %get3A_0] : memref<5000x1xf32, #tpu.memory_space<vmem>>, vector<5000x1xf32>
    %get3A_2 = arith.constant 0 : index
    %get3A_3 = arith.constant 0 : index
    %get3A_4 = arith.constant 0 : index
    %get3A_5 = vector.load %arg1[%get3A_2, %get3A_3, %get3A_4] : memref<2x5000x128xf32, #tpu.memory_space<vmem>>, vector<1x5000x128xf32>
    %get3A_6 = vector.shape_cast %get3A_5 : vector<1x5000x128xf32> to vector<5000x128xf32>
    %get3A_7 = arith.constant 1 : index
    %get3A_8 = arith.constant 0 : index
    %get3A_9 = arith.constant 0 : index
    %get3A_10 = vector.load %arg1[%get3A_7, %get3A_8, %get3A_9] : memref<2x5000x128xf32, #tpu.memory_space<vmem>>, vector<1x5000x128xf32>
    %get3A_11 = vector.shape_cast %get3A_10 : vector<1x5000x128xf32> to vector<5000x128xf32>
    %add3A = arith.addf %get3A_6, %get3A_11 : vector<5000x128xf32>
    %get3A_12 = arith.constant 0 : index
    %get3A_13 = arith.constant 0 : index
    %get3A_14 = vector.load %arg2[%get3A_12, %get3A_13] : memref<5000x128xf32, #tpu.memory_space<vmem>>, vector<5000x128xf32>
    %add3A_15 = arith.addf %add3A, %get3A_14 : vector<5000x128xf32>
    %mul3A = vector.broadcast %get3A_1 : vector<5000x1xf32> to vector<5000x128xf32>
    %mul3A_16 = arith.mulf %add3A_15, %mul3A : vector<5000x128xf32>
    %get3A_17 = arith.constant 0 : index
    %get3A_18 = arith.constant 0 : index
    %get3A_19 = vector.load %arg4[%get3A_17, %get3A_18] : memref<1x128xf32, #tpu.memory_space<vmem>>, vector<1x128xf32>
    %add3A_20 = vector.broadcast %get3A_19 : vector<1x128xf32> to vector<5000x128xf32>
    %add3A_21 = arith.addf %mul3A_16, %add3A_20 : vector<5000x128xf32>
    %max3A = arith.constant 0.000000e+00 : f32
    %max3A_22 = vector.broadcast %max3A : f32 to vector<5000x128xf32>
    %max3A_23 = arith.maximumf %add3A_21, %max3A_22 : vector<5000x128xf32>
    %get3A_24 = arith.constant 0 : index
    %get3A_25 = arith.constant 0 : index
    %get3A_26 = vector.load %arg5[%get3A_24, %get3A_25] : memref<128x48xf32, #tpu.memory_space<vmem>>, vector<128x48xf32>
    %dot_general3A = arith.constant dense<0.000000e+00> : vector<5000x48xf32>
    %dot_general3A_27 = tpu.matmul %max3A_23, %get3A_26, %dot_general3A {dimension_numbers = #tpu.dot_dimension_numbers<[1], [0], [0], [1], [0, 0, 1, 1], [], []>, transpose_lhs_hint = false} : vector<5000x128xf32>, vector<128x48xf32>, vector<5000x48xf32> -> vector<5000x48xf32>
    %mul3A_28 = vector.broadcast %get3A_1 : vector<5000x1xf32> to vector<5000x48xf32>
    %mul3A_29 = arith.mulf %dot_general3A_27, %mul3A_28 : vector<5000x48xf32>
    %swap3A = arith.constant 0 : index
    %swap3A_30 = arith.constant 0 : index
    %swap3A_31 = vector.load %arg6[%swap3A, %swap3A_30] : memref<5000x48xf32, #tpu.memory_space<vmem>>, vector<5000x48xf32>
    tpu.vector_store %arg6[%swap3A, %swap3A_30], %mul3A_29 {strides = array<i32>} : memref<5000x48xf32, #tpu.memory_space<vmem>>, vector<5000x48xf32>,
    return
  }
  func.func @transform_0(%arg0: i32) -> (i32, i32, i32) {
    %c0_i32 = arith.constant 0 : i32
    %c0_i32_0 = arith.constant 0 : i32
    %c0_i32_1 = arith.constant 0 : i32
    return %c0_i32, %arg0, %c0_i32_0 : i32, i32, i32
  }
  func.func @transform_1(%arg0: i32) -> (i32, i32) {
    %c0_i32 = arith.constant 0 : i32
    %c0_i32_0 = arith.constant 0 : i32
    return %arg0, %c0_i32 : i32, i32
  }
  func.func @transform_2(%arg0: i32) -> (i32, i32) {
    %c0_i32 = arith.constant 0 : i32
    %c0_i32_0 = arith.constant 0 : i32
    return %arg0, %c0_i32 : i32, i32
  }
  func.func @transform_3(%arg0: i32) -> (i32, i32) {
    %c0_i32 = arith.constant 0 : i32
    %c0_i32_0 = arith.constant 0 : i32
    %c0_i32_1 = arith.constant 0 : i32
    return %c0_i32, %c0_i32_0 : i32, i32
  }
  func.func @transform_4(%arg0: i32) -> (i32, i32) {
    %c0_i32 = arith.constant 0 : i32
    %c0_i32_0 = arith.constant 0 : i32
    %c0_i32_1 = arith.constant 0 : i32
    return %c0_i32, %c0_i32_0 : i32, i32
  }
  func.func @transform_5(%arg0: i32) -> (i32, i32) {
    %c0_i32 = arith.constant 0 : i32
    %c0_i32_0 = arith.constant 0 : i32
    return %arg0, %c0_i32 : i32, i32
  }
}

module attributes {stable_mosaic.version = 14 : i64} {
  func.func @body(%arg0: i32, %arg1: memref<2x5000x48xf32, #tpu.memory_space<vmem>>, %arg2: memref<5000x48xf32, #tpu.memory_space<vmem>>, %arg3: memref<5000x1xf32, #tpu.memory_space<vmem>>, %arg4: memref<1x48xf32, #tpu.memory_space<vmem>>, %arg5: memref<5000x40xf32, #tpu.memory_space<vmem>>) attributes {dimension_semantics = [#tpu.dimension_semantics<arbitrary>], iteration_bounds = array<i64: 2>, scalar_prefetch = 0 : i64, scratch_operands = 0 : i64, tpu.core_type = #tpu.core_type<tc>, window_params = [{transform_indices = @transform_0, window_bounds = array<i64: 2, 5000, 48>}, {transform_indices = @transform_1, window_bounds = array<i64: 5000, 48>}, {transform_indices = @transform_2, window_bounds = array<i64: 5000, 1>}, {pipeline_mode = #tpu.pipeline_mode<synchronous>, transform_indices = @transform_3, window_bounds = array<i64: 1, 48>}, {transform_indices = @transform_4, window_bounds = array<i64: 5000, 40>}]} {
    %get3A = arith.constant 0 : index
    %get3A_0 = arith.constant 0 : index
    %get3A_1 = vector.load %arg3[%get3A, %get3A_0] : memref<5000x1xf32, #tpu.memory_space<vmem>>, vector<5000x1xf32>
    %get3A_2 = arith.constant 0 : index
    %get3A_3 = arith.constant 0 : index
    %get3A_4 = arith.constant 0 : index
    %get3A_5 = vector.load %arg1[%get3A_2, %get3A_3, %get3A_4] : memref<2x5000x48xf32, #tpu.memory_space<vmem>>, vector<1x5000x48xf32>
    %get3A_6 = vector.shape_cast %get3A_5 : vector<1x5000x48xf32> to vector<5000x48xf32>
    %get3A_7 = arith.constant 1 : index
    %get3A_8 = arith.constant 0 : index
    %get3A_9 = arith.constant 0 : index
    %get3A_10 = vector.load %arg1[%get3A_7, %get3A_8, %get3A_9] : memref<2x5000x48xf32, #tpu.memory_space<vmem>>, vector<1x5000x48xf32>
    %get3A_11 = vector.shape_cast %get3A_10 : vector<1x5000x48xf32> to vector<5000x48xf32>
    %add3A = arith.addf %get3A_6, %get3A_11 : vector<5000x48xf32>
    %get3A_12 = arith.constant 0 : index
    %get3A_13 = arith.constant 0 : index
    %get3A_14 = vector.load %arg2[%get3A_12, %get3A_13] : memref<5000x48xf32, #tpu.memory_space<vmem>>, vector<5000x48xf32>
    %add3A_15 = arith.addf %add3A, %get3A_14 : vector<5000x48xf32>
    %mul3A = vector.broadcast %get3A_1 : vector<5000x1xf32> to vector<5000x48xf32>
    %mul3A_16 = arith.mulf %add3A_15, %mul3A : vector<5000x48xf32>
    %get3A_17 = arith.constant 0 : index
    %get3A_18 = arith.constant 0 : index
    %get3A_19 = vector.load %arg4[%get3A_17, %get3A_18] : memref<1x48xf32, #tpu.memory_space<vmem>>, vector<1x48xf32>
    %add3A_20 = vector.broadcast %get3A_19 : vector<1x48xf32> to vector<5000x48xf32>
    %add3A_21 = arith.addf %mul3A_16, %add3A_20 : vector<5000x48xf32>
    %max3A = arith.constant 0.000000e+00 : f32
    %max3A_22 = vector.broadcast %max3A : f32 to vector<5000x48xf32>
    %max3A_23 = arith.maximumf %add3A_21, %max3A_22 : vector<5000x48xf32>
    %iota3A = tpu.iota {dimensions = array<i32: 1>} : vector<5000x48xi32>
    %lt3A = arith.constant 40 : i32
    %lt3A_24 = vector.broadcast %lt3A : i32 to vector<5000x48xi32>
    %lt3A_25 = arith.cmpi slt, %iota3A, %lt3A_24 : vector<5000x48xi32>
    %jit3A = arith.constant -1.000000e+30 : f32
    %broadcast_in_dim3A = vector.broadcast %jit3A : f32 to vector<5000x48xf32>
    %select_n3A = arith.select %lt3A_25, %max3A_23, %broadcast_in_dim3A : vector<5000x48xi1>, vector<5000x48xf32>
    %reduce_max3A = arith.constant dense<0xFF800000> : vector<5000xf32>
    %reduce_max3A_26 = vector.multi_reduction <maximumf>, %select_n3A, %reduce_max3A [1] : vector<5000x48xf32> to vector<5000xf32>
    %broadcast_in_dim3A_27 = vector.shape_cast %reduce_max3A_26 : vector<5000xf32> to vector<5000x1xf32>
    %sub3A = vector.broadcast %broadcast_in_dim3A_27 : vector<5000x1xf32> to vector<5000x48xf32>
    %sub3A_28 = arith.subf %select_n3A, %sub3A : vector<5000x48xf32>
    %exp3A = math.exp %sub3A_28 : vector<5000x48xf32>
    %reduce_sum3A = arith.constant dense<0.000000e+00> : vector<5000xf32>
    %reduce_sum3A_29 = vector.multi_reduction <add>, %exp3A, %reduce_sum3A [1] : vector<5000x48xf32> to vector<5000xf32>
    %broadcast_in_dim3A_30 = vector.shape_cast %reduce_sum3A_29 : vector<5000xf32> to vector<5000x1xf32>
    %sub3A_31 = vector.broadcast %broadcast_in_dim3A_27 : vector<5000x1xf32> to vector<5000x48xf32>
    %sub3A_32 = arith.subf %select_n3A, %sub3A_31 : vector<5000x48xf32>
    %log3A = math.log %broadcast_in_dim3A_30 : vector<5000x1xf32>
    %sub3A_33 = vector.broadcast %log3A : vector<5000x1xf32> to vector<5000x48xf32>
    %sub3A_34 = arith.subf %sub3A_32, %sub3A_33 : vector<5000x48xf32>
    %slice3A = vector.extract_strided_slice %sub3A_34 {offsets = [0, 0], sizes = [5000, 40], strides = [1, 1]} : vector<5000x48xf32> to vector<5000x40xf32>
    %swap3A = arith.constant 0 : index
    %swap3A_35 = arith.constant 0 : index
    %swap3A_36 = vector.load %arg5[%swap3A, %swap3A_35] : memref<5000x40xf32, #tpu.memory_space<vmem>>, vector<5000x40xf32>
    tpu.vector_store %arg5[%swap3A, %swap3A_35], %slice3A {strides = array<i32>} : memref<5000x40xf32, #tpu.memory_space<vmem>>, vector<5000x40xf32>,
    return
  }
  func.func @transform_0(%arg0: i32) -> (i32, i32, i32) {
    %c0_i32 = arith.constant 0 : i32
    %c0_i32_0 = arith.constant 0 : i32
    %c0_i32_1 = arith.constant 0 : i32
    return %c0_i32, %arg0, %c0_i32_0 : i32, i32, i32
  }
  func.func @transform_1(%arg0: i32) -> (i32, i32) {
    %c0_i32 = arith.constant 0 : i32
    %c0_i32_0 = arith.constant 0 : i32
    return %arg0, %c0_i32 : i32, i32
  }
  func.func @transform_2(%arg0: i32) -> (i32, i32) {
    %c0_i32 = arith.constant 0 : i32
    %c0_i32_0 = arith.constant 0 : i32
    return %arg0, %c0_i32 : i32, i32
  }
  func.func @transform_3(%arg0: i32) -> (i32, i32) {
    %c0_i32 = arith.constant 0 : i32
    %c0_i32_0 = arith.constant 0 : i32
    %c0_i32_1 = arith.constant 0 : i32
    return %c0_i32, %c0_i32_0 : i32, i32
  }
  func.func @transform_4(%arg0: i32) -> (i32, i32) {
    %c0_i32 = arith.constant 0 : i32
    %c0_i32_0 = arith.constant 0 : i32
    return %arg0, %c0_i32 : i32, i32
  }
}

</mosaic_0001>

<sc_bundles>
// kernel: kernel.11.cloned.1.call-start
scs
__scs_entry_jumppad:
0x0: {  	(pc) =	sbr.rel $0x88, $3  }
0x1: {  	(tag) =	ssettag $0x0;
	lr =	simm.s32 $0x1  }
0x2: {  	[smem:$0x3F9B] =	sst lr;
	_ =	strace $0xD0000000  }
0x3: {  	_ = 	snop  }
0x4: {  	_ = 	snop  }
0x5: {  	_ = 	snop  }
0x6: {  	_ = 	snop  }
0x7: {  	_ = 	snop  }
__scs_overlays_trampoline_lowered:
0x8: {  	[smem:$0x3FAA] =	sst s0  }
0x9: {  	[smem:$0x3FAB] =	sst s1  }
0xa: {  	[smem:$0x3FAC] =	sst s2  }
0xb: {  	[smem:$0x3FAD] =	sst s3  }
0xc: {  	[smem:$0x3FAE] =	sst s4  }
0xd: {  	[smem:$0x3FAF] =	sst s5  }
0xe: {  	[smem:$0x3FB0] =	sst s6  }
0xf: {  	[smem:$0x3FB1] =	sst s7  }
0x10: {  	[smem:$0x3FB2] =	sst s8  }
0x11: {  	[smem:$0x3FB3] =	sst s9;
	s0 =	simm.s32 @!p0 $0x0  }
0x12: {  	s1 =	sld [smem:$0x3F99];
	s0 =	simm.s32 @p0 $0x1  }
0x13: {  	[smem:$0x3FB4] =	sst s0;
	s0 =	simm.s32 @!p1 $0x0  }
0x14: {  	s2 =	sld [smem:$0x3F98];
	s0 =	simm.s32 @p1 $0x1  }
0x15: {  	[smem:$0x3FB5] =	sst s0;
	s0 =	simm.s32 @!p2 $0x0  }
0x16: {  	s3 =	sld [smem:$0x3FDB];
	s0 =	simm.s32 @p2 $0x1  }
0x17: {  	s4 =	simm.s32 $0x1BF5;
	[smem:$0x3FB7] =	sst s0  }
0x18: {  	s0 =	sld [smem:$0x3F9A];
	_ =	swait.ge [sflag:s4], $0x0  }
0x19: {  	s7 =	sld [smem:$0x3F9B]  }
0x1a: {  	s8 =	sadd.s32 $0xFFFFE003, lr  }
0x1b: {  	s9 =	sadd.s32 $0xFFFFFEF7, lr;
	s5 =	simm.s32 $0xFFFFFFFF;
	p2 =	slt.u32 s8, $0xFFFFF086  }
0x1c: {  	p1 =	slt.u32 s9, $0xF7A;
	s5 =	simm.s32 @!p2 $0x0  }
0x1d: {  	s5 =	simm.s32 @p1 $0x1;
	p0 =	seq.s32 s7, s2  }
0x1e: {  	s7 =	smul.u32 @!p0 $0xF7A, s2;
	p2 =	seq.s32 @!p0 s5, $0x0  }
0x1f: {  	s9 =	smul.u32 $0xF7A, s1;
	s8 =	simm.s32 @!p0 $0x1BF5;
	p2 =	por !p2, p0  }
0x20: {  	[sflag:s8] =	ssyncset.s32 @!p0 $0xFFFFF086;
	s6 =	sadd.s32 @!p0 s3, s7;
	s7 =	simm.s32 @!p0 $0x108  }
0x21: {  	s3 =	sadd.s32 s3, s9;
	s6 =	sadd.s32 @!p0 $0x88, s6;
	s7 =	simm.s32 @p2 $0x1082  }
0x22: {  	[simem:s7], [sflag:s8] =	dma.local @!p0 [hbm:s6], $0xF7A  }
0x23: {  	s9 =	sor.u32 $0xD0000000, s2;
	s6 =	simm.s32 $0x108;
	_ =	swait.ge @!p0 [sflag:s8], $0x0  }
0x24: {  	s3 =	sadd.s32 $0x88, s3;
	s6 =	simm.s32 @!p1 $0x1082;
	[sflag:s4] =	ssyncset.s32 $0xFFFFF086  }
0x25: {  	[simem:s6], [sflag:s4] =	dma.local [hbm:s3], $0xF7A  }
0x26: {  	[smem:$0x3F9B] =	sst s1;
	(tag) =	ssettag s2;
	_ =	strace s9  }
0x27: {  	s1 =	sld [smem:$0x3FAB]  }
0x28: {  	s2 =	sld [smem:$0x3FAC]  }
0x29: {  	s4 =	sld [smem:$0x3FAE]  }
0x2a: {  	p0 =	seq.s32 s5, $0x0;
	s5 =	sld [smem:$0x3FAF]  }
0x2b: {  	s6 =	sld [smem:$0x3FB0]  }
0x2c: {  	s7 =	sld [smem:$0x3FB1]  }
0x2d: {  	s3 =	simm.s32 $0x108;
	s8 =	sld [smem:$0x3FB2]  }
0x2e: {  	s3 =	simm.s32 @!p0 $0x1082;
	s9 =	sld [smem:$0x3FB3]  }
0x2f: {  	lr =	sadd.s32 s0, s3;
	s0 =	sld [smem:$0x3FAA]  }
0x30: {  	s3 =	sld [smem:$0x3FAD]  }
0x31: {  	[smem:$0x3FB6] =	sst s10  }
0x32: {  	s10 =	sld [smem:$0x3FB4];
	_ =	sdelay $0x3  }
0x33: {  	p0 =	seq.s32 s10, $0x1;
	s10 =	sld [smem:$0x3FB6];
	_ =	sdelay $0x3  }
0x34: {  	[smem:$0x3FB6] =	sst s10  }
0x35: {  	s10 =	sld [smem:$0x3FB5];
	_ =	sdelay $0x3  }
0x36: {  	p1 =	seq.s32 s10, $0x1;
	s10 =	sld [smem:$0x3FB6];
	_ =	sdelay $0x3  }
0x37: {  	[smem:$0x3FB6] =	sst s10  }
0x38: {  	s10 =	sld [smem:$0x3FB7]  }
0x39: {  	_ = 	snop;
	(pc) =	sbr.ind lr, $3  }
0x3a: {  	_ = 	snop  }
0x3b: {  	_ = 	snop  }
0x3c: {  	p2 =	seq.s32 s10, $0x1;
	s10 =	sld [smem:$0x3FB6]  }
0x3d: {  	_ =	shalt  }
0x3e: {  	_ =	shalt  }
0x3f: {  	_ =	shalt  }
0x40: {  	_ =	shalt  }
0x41: {  	_ =	shalt  }
0x42: {  	_ =	shalt  }
0x43: {  	_ =	shalt  }
0x44: {  	_ =	shalt  }
0x45: {  	_ =	shalt  }
0x46: {  	_ =	shalt  }
0x47: {  	_ =	shalt  }
0x48: {  	_ =	shalt  }
0x49: {  	_ =	shalt  }
0x4a: {  	_ =	shalt  }
0x4b: {  	_ =	shalt  }
0x4c: {  	_ =	shalt  }
0x4d: {  	_ =	shalt  }
0x4e: {  	_ =	shalt  }
0x4f: {  	_ =	shalt  }
0x50: {  	_ =	shalt  }
0x51: {  	_ =	shalt  }
0x52: {  	_ =	shalt  }
0x53: {  	_ =	shalt  }
0x54: {  	_ =	shalt  }
0x55: {  	_ =	shalt  }
0x56: {  	_ =	shalt  }
0x57: {  	_ =	shalt  }
0x58: {  	_ =	shalt  }
0x59: {  	_ =	shalt  }
0x5a: {  	_ =	shalt  }
0x5b: {  	_ =	shalt  }
0x5c: {  	_ =	shalt  }
0x5d: {  	_ =	shalt  }
0x5e: {  	_ =	shalt  }
0x5f: {  	_ =	shalt  }
0x60: {  	_ =	shalt  }
0x61: {  	_ =	shalt  }
0x62: {  	_ =	shalt  }
0x63: {  	_ =	shalt  }
0x64: {  	_ =	shalt  }
0x65: {  	_ =	shalt  }
0x66: {  	_ =	shalt  }
0x67: {  	_ =	shalt  }
0x68: {  	_ =	shalt  }
0x69: {  	_ =	shalt  }
0x6a: {  	_ =	shalt  }
0x6b: {  	_ =	shalt  }
0x6c: {  	_ =	shalt  }
0x6d: {  	_ =	shalt  }
0x6e: {  	_ =	shalt  }
0x6f: {  	_ =	shalt  }
0x70: {  	_ =	shalt  }
0x71: {  	_ =	shalt  }
0x72: {  	_ =	shalt  }
0x73: {  	_ =	shalt  }
0x74: {  	_ =	shalt  }
0x75: {  	_ =	shalt  }
0x76: {  	_ =	shalt  }
0x77: {  	_ =	shalt  }
0x78: {  	_ =	shalt  }
0x79: {  	_ =	shalt  }
0x7a: {  	_ =	shalt  }
0x7b: {  	_ =	shalt  }
0x7c: {  	_ =	shalt  }
0x7d: {  	_ =	shalt  }
0x7e: {  	_ =	shalt  }
0x7f: {  	_ =	shalt  }
0x80: {  	_ =	shalt  }
0x81: {  	_ =	shalt  }
0x82: {  	_ =	shalt  }
0x83: {  	_ =	shalt  }
0x84: {  	_ =	shalt  }
0x85: {  	_ =	shalt  }
0x86: {  	_ =	shalt  }
0x87: {  	_ =	shalt  }
.Lfunc_end0:
.L_simem_size_0:
called_computation.1_lowered:
.L_overlay_start_0:
0x88: {  	s2 =	sld [smem:$0x3FD9]  }
0x89: {  	s3 =	sld [smem:$0x3FFE];
	_ =	sdelay $0x1  }
0x8a: {  	s1 =	srdreg.scid  }
0x8b: {  	s0 =	sand.u32 $0x1, s1  }
0x8c: {  	s17 =	sshll.u32 s0, $0xA;
	s2 =	sadd.s32 s3, s2  }
0x8d: {  	s2 =	sadd.s32 s2, s17  }
0x8e: {  	[smem:$0x3FC2] =	sst s2  }
0x8f: {  	_ = 	snop  }
0x90: {  	s2 =	sld [smem:$0x3FD0];
	(tm) =	ssettm $0x1  }
0x91: {  	s18 =	sld [smem:$0x3FFB];
	_ =	sdelay $0x3  }
0x92: {  	_ =	strace s18  }
0x93: {  	s3 =	sld [smem:$0x3FFC];
	_ =	sdelay $0x3  }
0x94: {  	_ =	strace s3  }
0x95: {  	s3 =	sld [smem:$0x3FFD];
	_ =	sdelay $0x3  }
0x96: {  	_ =	strace s3  }
0x97: {  	_ =	strace $0x8FFFFFFF  }
0x98: {  	s19 =	sld [smem:$0x3FDB];
	_ =	sdelay $0x1  }
0x99: {  	s4 =	simm.s32 $_scs_section_size  }
0x9a: {  	s5 =	simm.s32 $_size__tile_overlayer_lowered;
	s6 =	simm.s32 $_tile_overlayer_lowered  }
0x9b: {  	s22 =	simm.s32 $0x1BFF;
	s21 =	sshll.u32 s6, $0x1;
	s3 =	sadd.s32 s4, s19  }
0x9c: {  	s7 =	simm.s32 $0x0;
	s20 =	sshll.u32 s5, $0x1;
	s5 =	sadd.s32 s21, s3  }
0x9d: {  	[timem:s7], [sflag:s22] =	dma.local [hbm:s5], s20  }
0x9e: {  	_ =	swait.ge [sflag:s22], s20  }
0x9f: {  	s4 =	ssub.s32 $0x0, s20;
	[sflag:s22] =	ssyncset.done $0x0  }
0xa0: {  	[sflag:s22] =	ssyncadd.s32 s4;
	_ =	sdelay $0x1  }
0xa1: {  	s23 =	simm.s32 $0x1B8B  }
0xa2: {  	_ =	swait.ge [sflag:s23], $0x1  }
0xa3: {  	[sflag:s23] =	ssyncset.done $0x0  }
0xa4: {  	s25 =	simm.s32 $0x1B8E;
	s24 =	sld [smem:$0x3FFE];
	[sflag:s23] =	ssyncadd.s32 $0xFFFFFFFF  }
0xa5: {  	s26 =	simm.s32 $execute0_lowered;
	[smem:$0x3FD2] =	sst s25  }
0xa6: {  	s5 =	sshll.u32 s26, $0x1;
	_ =	strace $0x80000049;
	[dreg:$0x1] =	wrdreg $0xFFFFFFFF  }
0xa7: {  	s28 =	simm.s32 $_size_execute0_lowered;
	s3 =	sadd.s32 s3, s5;
	[dreg:$0x0] =	wrdreg $0x0  }
0xa8: {  	s5 =	sshll.u32 s28, $0x1;
	[dreg:$0x2] =	wrdreg s3  }
0xa9: {  	[dreg:$0x3] =	wrdreg s5  }
0xaa: {  	[dreg:$0x4] =	wrdreg $0xC0  }
0xab: {  	_ =	task [dreg:s7], $0x5FFFF  }
0xac: {  	[dreg:$0x1] =	wrdreg $0xFFFFFFFF  }
0xad: {  	[dreg:$0x0] =	wrdreg $0x60  }
0xae: {  	[dreg:$0x2] =	wrdreg s24  }
0xaf: {  	[dreg:$0x3] =	wrdreg s2  }
0xb0: {  	[dreg:$0x4] =	wrdreg $0xA5000  }
0xb1: {  	[dreg:$0x5] =	wrdreg $0x9  }
0xb2: {  	_ =	task.clear_ibuf [dreg:s7], $0x6FFFF;
	_ =	strace $0x90000049  }
0xb3: {  	s29 =	simm.s32 $0x9;
	_ =	strace $0x8000004B  }
0xb4: {  	_ =	swait.ge [sflag:s29], $0x1  }
0xb5: {  	[sflag:s29] =	ssyncadd.s32 $0xFFFFFFFF  }
0xb6: {  	_ =	strace $0x9000004B  }
0xb7: {  	_ =	sfence  }
0xb8: {  	s30 =	sld [smem:$0x0];
	_ =	sdelay $0x2  }
0xb9: {  	s31 =	sshll.u32 s1, $0xD;
	s1 =	sshrl.u32 s1, $0x2  }
0xba: {  	s3 =	sand.u32 $0x4000, s31;
	s1 =	sadd.s32 s1, s30  }
0xbb: {  	s0 =	sor.u32 s3, s0;
	s1 =	sshll.u32 s1, $0x11  }
0xbc: {  	s0 =	sor.u32 s1, s0  }
0xbd: {  	s0 =	sadd.s32 $0x8F2B, s0  }
0xbe: {  	[sflag:s0] =	ssyncadd.remote.s32 $0x1  }
0xbf: {  	_ =	sfence.sel $0xFFFF  }
0xc0: {  	[dreg:$0x0] =	wrdreg $0xFFFFFFFF;
	(pc) =	sbr.abs _section_cstart, $3  }
0xc1: {  	[dreg:$0x1] =	wrdreg $0xFFFFFFFF  }
0xc2: {  	_ =	task.clear_ibuf [dreg:s7], $0x2FFFF;
	_ =	strace $0x9FFFFFFF  }
0xc3: {  	(tm) =	ssettm $0x7FFFFFFF  }
tec
execute0_lowered:
.L_overlay_start_1:
0x0: {  	(tag) =	ssettag $0x1  }
0x1: {  	s5 =	rddreg [dreg:$0x0]  }
0x2: {  	s13 =	rddreg [dreg:$0x1]  }
0x3: {  	s1 =	rddreg [dreg:$0x2]  }
0x4: {  	s2 =	srdreg.scid;
	s3 =	simm.s32 $0x0;
	s18 =	simm.s32 $0x1400  }
0x5: {  	s19 =	simm.s32 $0x7D;
	s20 =	simm.s32 $0x6680;
	s21 =	simm.s32 $0x1  }
0x6: {  	s22 =	simm.s32 $0x2;
	s23 =	simm.s32 $0x1380;
	s24 =	simm.s32 $0x2700  }
0x7: {  	s26 =	simm.s32 $0x2780;
	s6 =	sand.u32 $0x1, s2;
	s2 =	stileid.u32  }
0x8: {  	[smem:$0x7FF] =	sst s3;
	s4 =	sadd.s32 $0x16000, s5;
	s7 =	smul.u32 $0x27100, s6  }
0x9: {  	s12 =	sadd.s32 $0xC000, s5;
	s8 =	smul.u32 $0x2700, s2;
	_ =	strace $0x8000004A  }
0xa: {  	s28 =	smul.u32 $0x4E200, s2;
	s29 =	ssub.s32 $0x2, s6;
	s6 =	sshll.u32 s6, $0x4  }
0xb: {  	s17 =	smul.u32 $0x4E000, s2;
	s30 =	sshrl.u32 s29, $0x1;
	s9 =	sor.u32 s2, s6  }
0xc: {  	s7 =	sadd.s32 s8, s7;
	s31 =	sshrl.u32 s28, $0x2;
	s10 =	smul.u32 $0x2800, s9  }
0xd: {  	s15 =	ssub.s32 s29, s30;
	s11 =	smul.u32 $0x500, s9;
	s17 =	sshrl.u32 s17, $0x2  }
0xe: {  	s14 =	sadd.s32 s7, s5;
	s5 =	sadd.s32 s31, s1;
	s25 =	sadd.s32 s17, s1  }
0xf: {  	s15 =	smax.u32 s15, $0x1;
	s17 =	simm.s32 $0x3;
	s6 =	sadd.s32 $0x3E80, s5  }
0x10: {  	s7 =	sadd.s32 $0x7D00, s5;
	s8 =	sadd.s32 $0xBB80, s5;
	s16 =	sshrl.u32 s10, $0x3  }
0x11: {  	s9 =	sadd.s32 $0xFA00, s5;
	s10 =	sadd.s32 s12, s11;
	s11 =	sadd.s32 s13, s11  }
0x12: {  	s14 =	sadd.s32 $0x3D200, s14;
	s25 =	sshrl.u32 s25, $0x3;
	s16 =	sadd.s32 $0x280, s16  }
0x13: {  	v0 =	vimm.f32 $0.0e+00;
	s12 =	sadd.s32 s12, s16;
	s13 =	sadd.s32 s13, s16;
	s16 =	simm.s32 $0x2800  }
.LBB2_1:
0x14: {  	s28 =	simm.s32 $0x0;
	s29 =	simm.s32 $0x200  }
.LBB2_2:
0x15: {  	p0 =	sne.s32 s29, $0xF800;
	[tilespmem:s28+$0x2870] =	vst v0  }
0x16: {  	[tilespmem:s28+$0x2800] =	vst v0  }
0x17: {  	[tilespmem:s28+$0x2810] =	vst v0  }
.Ltmp0:
0x18: {  	[tilespmem:s28+$0x2820] =	vst v0;
	(pc) =	sbr.rel @p0 .LBB2_2-.Ltmp0, $4  }
0x19: {  	[tilespmem:s28+$0x2830] =	vst v0  }
0x1a: {  	[tilespmem:s28+$0x2840] =	vst v0  }
0x1b: {  	[tilespmem:s28+$0x2850] =	vst v0  }
0x1c: {  	[tilespmem:s28+$0x2860] =	vst v0;
	s28 =	sshra.s32 s29, $0x2;
	s29 =	sadd.s32 $0x200, s29  }
0x1d: {  	[tilespmem:s28+$0x2870] =	vst v0  }
0x1e: {  	[tilespmem:s28+$0x2800] =	vst v0  }
0x1f: {  	[tilespmem:s28+$0x2810] =	vst v0  }
0x20: {  	[tilespmem:s28+$0x2820] =	vst v0  }
0x21: {  	[tilespmem:s28+$0x2830] =	vst v0  }
0x22: {  	[tilespmem:s28+$0x2840] =	vst v0  }
0x23: {  	[tilespmem:s28+$0x2850] =	vst v0  }
0x24: {  	[tilespmem:s28+$0x2860] =	vst v0  }
0x25: {  	[spmem:s5] =	stream.linear.scatter [tilespmem:s16], [sflag:$0x3], $0x3E80, $0x38;
	[tilespmem:$0x1DD80] =	vst v63  }
0x26: {  	_ =	swait.ge [sflag:s17], $0x3E80  }
0x27: {  	[sflag:s17] =	ssyncset.done $0x0  }
0x28: {  	[sflag:s17] =	ssyncadd.s32 $0xFFFFC180  }
0x29: {  	[spmem:s6] =	stream.linear.scatter [tilespmem:s16], [sflag:$0x3], $0x3E80, $0x38;
	[tilespmem:$0x1DD80] =	vst v63  }
0x2a: {  	_ =	swait.ge [sflag:s17], $0x3E80  }
0x2b: {  	[sflag:s17] =	ssyncset.done $0x0  }
0x2c: {  	[sflag:s17] =	ssyncadd.s32 $0xFFFFC180  }
0x2d: {  	[spmem:s7] =	stream.linear.scatter [tilespmem:s16], [sflag:$0x3], $0x3E80, $0x38;
	[tilespmem:$0x1DD80] =	vst v63  }
0x2e: {  	_ =	swait.ge [sflag:s17], $0x3E80  }
0x2f: {  	[sflag:s17] =	ssyncset.done $0x0  }
0x30: {  	[sflag:s17] =	ssyncadd.s32 $0xFFFFC180  }
0x31: {  	[spmem:s8] =	stream.linear.scatter [tilespmem:s16], [sflag:$0x3], $0x3E80, $0x38;
	[tilespmem:$0x1DD80] =	vst v63  }
0x32: {  	_ =	swait.ge [sflag:s17], $0x3E80  }
0x33: {  	[sflag:s17] =	ssyncset.done $0x0  }
0x34: {  	[sflag:s17] =	ssyncadd.s32 $0xFFFFC180  }
0x35: {  	[spmem:s9] =	stream.linear.scatter [tilespmem:s16], [sflag:$0x3], $0x3E80, $0x38;
	[tilespmem:$0x1DD80] =	vst v63  }
0x36: {  	_ =	swait.ge [sflag:s17], $0x3E80  }
0x37: {  	[sflag:s17] =	ssyncset.done $0x0  }
0x38: {  	[sflag:s17] =	ssyncadd.s32 $0xFFFFC180  }
0x39: {  	s28 =	simm.s32 $0x0;
	[bflag:$0x0] =	sbarrier.arrive $0xFFFF  }
0x3a: {  	[tilespmem:s28], [sflag:$0x3] =	stream.linear.gather [hbm4b:s10+s28], $0x1400, $0x38;
	[tilespmem:$0x1DD80] =	vst v63  }
0x3b: {  	_ =	swait.ge [sflag:s17], $0x1400  }
0x3c: {  	[sflag:s17] =	ssyncset.done $0x0  }
0x3d: {  	[sflag:s17] =	ssyncadd.s32 $0xFFFFEC00  }
0x3e: {  	[tilespmem:s18], [sflag:$0x3] =	stream.linear.gather [hbm4b:s11+s28], $0x1400, $0x38;
	[tilespmem:$0x1DD80] =	vst v63  }
0x3f: {  	_ =	swait.ge [sflag:s17], $0x1400  }
0x40: {  	[sflag:s17] =	ssyncset.done $0x0  }
0x41: {  	[sflag:s17] =	ssyncadd.s32 $0xFFFFEC00  }
0x42: {  	[tilespmem:s16], [sflag:$0x1] =	stream.indirect.gather [hbm4b:s4+s19], $0x80, s28, s19, $0xb8;
	[tilespmem:$0x1DD80] =	vst v63  }
0x43: {  	s28 =	simm.s32 $0x80  }
0x44: {  	[tilespmem:s20], [sflag:$0x2] =	stream.indirect.gather [hbm4b:s4+s19], $0x80, s28, s19, $0xb8;
	[tilespmem:$0x1DD80] =	vst v63  }
0x45: {  	_ =	swait.ge [sflag:s21], $0x3E80  }
0x46: {  	[sflag:s21] =	ssyncset.done $0x0  }
0x47: {  	s28 =	simm.s32 $0x1400;
	[sflag:s21] =	ssyncadd.s32 $0xFFFFC180  }
0x48: {  	[spmem:s1] =	stream.indirect.scatter.add.f32 [tilespmem:s16], [sflag:$0x3], $0x80, s28, s19, $0xb8;
	[tilespmem:$0x1DD80] =	vst v63  }
0x49: {  	_ =	swait.ge [sflag:s17], $0x3E80  }
0x4a: {  	[sflag:s17] =	ssyncset.done $0x0  }
0x4b: {  	s28 =	simm.s32 $0x100;
	[sflag:s17] =	ssyncadd.s32 $0xFFFFC180  }
0x4c: {  	[tilespmem:s16], [sflag:$0x1] =	stream.indirect.gather [hbm4b:s4+s19], $0x80, s28, s19, $0xb8;
	[tilespmem:$0x1DD80] =	vst v63  }
0x4d: {  	_ =	swait.ge [sflag:s22], $0x3E80  }
0x4e: {  	[sflag:s22] =	ssyncset.done $0x0  }
0x4f: {  	s28 =	simm.s32 $0x1480;
	[sflag:s22] =	ssyncadd.s32 $0xFFFFC180  }
0x50: {  	[spmem:s1] =	stream.indirect.scatter.add.f32 [tilespmem:s20], [sflag:$0x3], $0x80, s28, s19, $0xb8;
	[tilespmem:$0x1DD80] =	vst v63  }
0x51: {  	_ =	swait.ge [sflag:s17], $0x3E80  }
0x52: {  	s29 =	simm.s32 $0x800;
	s28 =	simm.s32 $0x100;
	[sflag:s17] =	ssyncset.done $0x0  }
.LBB2_4:
0x53: {  	s30 =	sadd.s32 $0x80, s28  }
0x54: {  	[sflag:s17] =	ssyncadd.s32 $0xFFFFC180;
	s31 =	smov.u32 s29;
	s0 =	sadd.s32 $0x400, s29  }
0x55: {  	[tilespmem:s20], [sflag:$0x2] =	stream.indirect.gather [hbm4b:s4+s19], $0x80, s30, s19, $0xb8;
	[tilespmem:$0x1DD80] =	vst v63  }
0x56: {  	p0 =	sne.s32 s29, $0x4800;
	_ =	swait.ge [sflag:s21], $0x3E80  }
0x57: {  	[sflag:s21] =	ssyncset.done $0x0  }
0x58: {  	s29 =	sadd.s32 $0x1400, s28;
	[sflag:s21] =	ssyncadd.s32 $0xFFFFC180  }
0x59: {  	[spmem:s1] =	stream.indirect.scatter.add.f32 [tilespmem:s16], [sflag:$0x3], $0x80, s29, s19, $0xb8;
	[tilespmem:$0x1DD80] =	vst v63  }
0x5a: {  	_ =	swait.ge [sflag:s17], $0x3E80  }
0x5b: {  	[sflag:s17] =	ssyncset.done $0x0  }
0x5c: {  	s29 =	sadd.s32 $0x100, s28;
	[sflag:s17] =	ssyncadd.s32 $0xFFFFC180  }
0x5d: {  	[tilespmem:s16], [sflag:$0x1] =	stream.indirect.gather [hbm4b:s4+s19], $0x80, s29, s19, $0xb8;
	[tilespmem:$0x1DD80] =	vst v63  }
0x5e: {  	_ =	swait.ge [sflag:s22], $0x3E80  }
.Ltmp1:
0x5f: {  	[sflag:s22] =	ssyncset.done $0x0;
	(pc) =	sbr.rel @p0 .LBB2_4-.Ltmp1, $4  }
0x60: {  	s28 =	sadd.s32 $0x1480, s28;
	[sflag:s22] =	ssyncadd.s32 $0xFFFFC180  }
0x61: {  	[spmem:s1] =	stream.indirect.scatter.add.f32 [tilespmem:s20], [sflag:$0x3], $0x80, s28, s19, $0xb8;
	[tilespmem:$0x1DD80] =	vst v63  }
0x62: {  	_ =	swait.ge [sflag:s17], $0x3E80  }
0x63: {  	s29 =	smov.u32 s0;
	s28 =	sshra.s32 s31, $0x2;
	[sflag:s17] =	ssyncset.done $0x0  }
0x64: {  	s0 =	sadd.s32 $0x80, s28;
	[sflag:s17] =	ssyncadd.s32 $0xFFFFC180  }
0x65: {  	[tilespmem:s20], [sflag:$0x2] =	stream.indirect.gather [hbm4b:s4+s19], $0x80, s0, s19, $0xb8;
	[tilespmem:$0x1DD80] =	vst v63  }
0x66: {  	_ =	swait.ge [sflag:s21], $0x3E80  }
0x67: {  	[sflag:s21] =	ssyncset.done $0x0  }
0x68: {  	s30 =	sadd.s32 $0x1400, s28;
	[sflag:s21] =	ssyncadd.s32 $0xFFFFC180  }
0x69: {  	[spmem:s1] =	stream.indirect.scatter.add.f32 [tilespmem:s16], [sflag:$0x3], $0x80, s30, s19, $0xb8;
	[tilespmem:$0x1DD80] =	vst v63  }
0x6a: {  	_ =	swait.ge [sflag:s17], $0x3E80  }
0x6b: {  	[sflag:s17] =	ssyncset.done $0x0  }
0x6c: {  	s31 =	sadd.s32 $0x100, s28;
	[sflag:s17] =	ssyncadd.s32 $0xFFFFC180  }
0x6d: {  	[tilespmem:s16], [sflag:$0x1] =	stream.indirect.gather [hbm4b:s4+s19], $0x80, s31, s19, $0xb8;
	[tilespmem:$0x1DD80] =	vst v63  }
0x6e: {  	_ =	swait.ge [sflag:s22], $0x3E80  }
0x6f: {  	[sflag:s22] =	ssyncset.done $0x0  }
0x70: {  	s30 =	sadd.s32 $0x1480, s28;
	[sflag:s22] =	ssyncadd.s32 $0xFFFFC180  }
0x71: {  	[spmem:s1] =	stream.indirect.scatter.add.f32 [tilespmem:s20], [sflag:$0x3], $0x80, s30, s19, $0xb8;
	[tilespmem:$0x1DD80] =	vst v63  }
0x72: {  	_ =	swait.ge [sflag:s17], $0x3E80  }
0x73: {  	[sflag:s17] =	ssyncset.done $0x0  }
0x74: {  	[sflag:s17] =	ssyncadd.s32 $0xFFFFC180  }
0x75: {  	[tilespmem:s20], [sflag:$0x2] =	stream.indirect.gather [hbm4b:s4+s19], $0x80, s23, s19, $0xb8;
	[tilespmem:$0x1DD80] =	vst v63  }
0x76: {  	_ =	swait.ge [sflag:s21], $0x3E80  }
0x77: {  	[sflag:s21] =	ssyncset.done $0x0  }
0x78: {  	[sflag:s21] =	ssyncadd.s32 $0xFFFFC180  }
0x79: {  	[spmem:s1] =	stream.indirect.scatter.add.f32 [tilespmem:s16], [sflag:$0x3], $0x80, s24, s19, $0xb8;
	[tilespmem:$0x1DD80] =	vst v63  }
0x7a: {  	_ =	swait.ge [sflag:s17], $0x3E80  }
0x7b: {  	[sflag:s17] =	ssyncset.done $0x0  }
0x7c: {  	[sflag:s17] =	ssyncadd.s32 $0xFFFFC180  }
0x7d: {  	[tilespmem:s16], [sflag:$0x1] =	stream.indirect.gather [hbm4b:s4+s19], $0x80, s23, s19, $0xb8;
	[tilespmem:$0x1DD80] =	vst v63  }
0x7e: {  	_ =	swait.ge [sflag:s22], $0x3E80  }
0x7f: {  	[sflag:s22] =	ssyncset.done $0x0  }
0x80: {  	[sflag:s22] =	ssyncadd.s32 $0xFFFFC180  }
0x81: {  	[spmem:s1] =	stream.indirect.scatter.add.f32 [tilespmem:s20], [sflag:$0x3], $0x80, s26, s19, $0xb8;
	[tilespmem:$0x1DD80] =	vst v63  }
0x82: {  	_ =	swait.ge [sflag:s17], $0x3E80  }
0x83: {  	[sflag:s17] =	ssyncset.done $0x0  }
0x84: {  	[sflag:s17] =	ssyncadd.s32 $0xFFFFC180  }
0x85: {  	_ =	swait.ge [sflag:s21], $0x3E80  }
0x86: {  	[sflag:s21] =	ssyncset.done $0x0  }
0x87: {  	s31 =	simm.s32 $0x0;
	[sflag:s21] =	ssyncadd.s32 $0xFFFFC180  }
0x88: {  	[tilespmem:s31], [sflag:$0x3] =	stream.linear.gather [hbm4b:s12+s31], $0x1400, $0x38;
	[tilespmem:$0x1DD80] =	vst v63  }
0x89: {  	_ =	swait.ge [sflag:s17], $0x1400  }
0x8a: {  	[sflag:s17] =	ssyncset.done $0x0  }
0x8b: {  	[sflag:s17] =	ssyncadd.s32 $0xFFFFEC00  }
0x8c: {  	[tilespmem:s18], [sflag:$0x3] =	stream.linear.gather [hbm4b:s13+s31], $0x1400, $0x38;
	[tilespmem:$0x1DD80] =	vst v63  }
0x8d: {  	_ =	swait.ge [sflag:s17], $0x1400  }
0x8e: {  	[sflag:s17] =	ssyncset.done $0x0  }
0x8f: {  	[sflag:s17] =	ssyncadd.s32 $0xFFFFEC00  }
0x90: {  	[tilespmem:s16], [sflag:$0x1] =	stream.indirect.gather [hbm4b:s4+s19], $0x80, s31, s19, $0xb8;
	[tilespmem:$0x1DD80] =	vst v63  }
0x91: {  	s30 =	simm.s32 $0x80  }
0x92: {  	[tilespmem:s20], [sflag:$0x2] =	stream.indirect.gather [hbm4b:s4+s19], $0x80, s30, s19, $0xb8;
	[tilespmem:$0x1DD80] =	vst v63  }
0x93: {  	_ =	swait.ge [sflag:s21], $0x3E80  }
0x94: {  	[sflag:s21] =	ssyncset.done $0x0  }
0x95: {  	s31 =	simm.s32 $0x1400;
	[sflag:s21] =	ssyncadd.s32 $0xFFFFC180  }
0x96: {  	[spmem:s1] =	stream.indirect.scatter.add.f32 [tilespmem:s16], [sflag:$0x3], $0x80, s31, s19, $0xb8;
	[tilespmem:$0x1DD80] =	vst v63  }
0x97: {  	_ =	swait.ge [sflag:s17], $0x3E80  }
0x98: {  	[sflag:s17] =	ssyncset.done $0x0  }
0x99: {  	s30 =	simm.s32 $0x100;
	[sflag:s17] =	ssyncadd.s32 $0xFFFFC180  }
0x9a: {  	[tilespmem:s16], [sflag:$0x1] =	stream.indirect.gather [hbm4b:s4+s19], $0x80, s30, s19, $0xb8;
	[tilespmem:$0x1DD80] =	vst v63  }
0x9b: {  	_ =	swait.ge [sflag:s22], $0x3E80  }
0x9c: {  	[sflag:s22] =	ssyncset.done $0x0  }
0x9d: {  	s31 =	simm.s32 $0x1480;
	[sflag:s22] =	ssyncadd.s32 $0xFFFFC180  }
0x9e: {  	[spmem:s1] =	stream.indirect.scatter.add.f32 [tilespmem:s20], [sflag:$0x3], $0x80, s31, s19, $0xb8;
	[tilespmem:$0x1DD80] =	vst v63  }
0x9f: {  	_ =	swait.ge [sflag:s17], $0x3E80  }
0xa0: {  	s29 =	simm.s32 $0x800;
	s28 =	simm.s32 $0x100;
	[sflag:s17] =	ssyncset.done $0x0  }
.LBB2_6:
0xa1: {  	s0 =	sadd.s32 $0x80, s28  }
0xa2: {  	[sflag:s17] =	ssyncadd.s32 $0xFFFFC180;
	s30 =	smov.u32 s29;
	s31 =	sadd.s32 $0x400, s29  }
0xa3: {  	[tilespmem:s20], [sflag:$0x2] =	stream.indirect.gather [hbm4b:s4+s19], $0x80, s0, s19, $0xb8;
	[tilespmem:$0x1DD80] =	vst v63  }
0xa4: {  	p0 =	sne.s32 s29, $0x4800;
	_ =	swait.ge [sflag:s21], $0x3E80  }
0xa5: {  	[sflag:s21] =	ssyncset.done $0x0  }
0xa6: {  	s0 =	sadd.s32 $0x1400, s28;
	[sflag:s21] =	ssyncadd.s32 $0xFFFFC180  }
0xa7: {  	[spmem:s1] =	stream.indirect.scatter.add.f32 [tilespmem:s16], [sflag:$0x3], $0x80, s0, s19, $0xb8;
	[tilespmem:$0x1DD80] =	vst v63  }
0xa8: {  	_ =	swait.ge [sflag:s17], $0x3E80  }
0xa9: {  	[sflag:s17] =	ssyncset.done $0x0  }
0xaa: {  	s0 =	sadd.s32 $0x100, s28;
	[sflag:s17] =	ssyncadd.s32 $0xFFFFC180  }
0xab: {  	[tilespmem:s16], [sflag:$0x1] =	stream.indirect.gather [hbm4b:s4+s19], $0x80, s0, s19, $0xb8;
	[tilespmem:$0x1DD80] =	vst v63  }
0xac: {  	_ =	swait.ge [sflag:s22], $0x3E80  }
.Ltmp2:
0xad: {  	[sflag:s22] =	ssyncset.done $0x0;
	(pc) =	sbr.rel @p0 .LBB2_6-.Ltmp2, $4  }
0xae: {  	s0 =	sadd.s32 $0x1480, s28;
	[sflag:s22] =	ssyncadd.s32 $0xFFFFC180  }
0xaf: {  	[spmem:s1] =	stream.indirect.scatter.add.f32 [tilespmem:s20], [sflag:$0x3], $0x80, s0, s19, $0xb8;
	[tilespmem:$0x1DD80] =	vst v63  }
0xb0: {  	_ =	swait.ge [sflag:s17], $0x3E80  }
0xb1: {  	s29 =	smov.u32 s31;
	s28 =	sshra.s32 s30, $0x2;
	[sflag:s17] =	ssyncset.done $0x0  }
0xb2: {  	s0 =	sadd.s32 $0x80, s28;
	[sflag:s17] =	ssyncadd.s32 $0xFFFFC180  }
0xb3: {  	[tilespmem:s20], [sflag:$0x2] =	stream.indirect.gather [hbm4b:s4+s19], $0x80, s0, s19, $0xb8;
	[tilespmem:$0x1DD80] =	vst v63  }
0xb4: {  	_ =	swait.ge [sflag:s21], $0x3E80  }
0xb5: {  	[sflag:s21] =	ssyncset.done $0x0  }
0xb6: {  	s31 =	sadd.s32 $0x1400, s28;
	[sflag:s21] =	ssyncadd.s32 $0xFFFFC180  }
0xb7: {  	[spmem:s1] =	stream.indirect.scatter.add.f32 [tilespmem:s16], [sflag:$0x3], $0x80, s31, s19, $0xb8;
	[tilespmem:$0x1DD80] =	vst v63  }
0xb8: {  	_ =	swait.ge [sflag:s17], $0x3E80  }
0xb9: {  	[sflag:s17] =	ssyncset.done $0x0  }
0xba: {  	s29 =	sadd.s32 $0x100, s28;
	[sflag:s17] =	ssyncadd.s32 $0xFFFFC180  }
0xbb: {  	[tilespmem:s16], [sflag:$0x1] =	stream.indirect.gather [hbm4b:s4+s19], $0x80, s29, s19, $0xb8;
	[tilespmem:$0x1DD80] =	vst v63  }
0xbc: {  	_ =	swait.ge [sflag:s22], $0x3E80  }
0xbd: {  	[sflag:s22] =	ssyncset.done $0x0  }
0xbe: {  	s30 =	sadd.s32 $0x1480, s28;
	[sflag:s22] =	ssyncadd.s32 $0xFFFFC180  }
0xbf: {  	[spmem:s1] =	stream.indirect.scatter.add.f32 [tilespmem:s20], [sflag:$0x3], $0x80, s30, s19, $0xb8;
	[tilespmem:$0x1DD80] =	vst v63  }
0xc0: {  	_ =	swait.ge [sflag:s17], $0x3E80  }
0xc1: {  	[sflag:s17] =	ssyncset.done $0x0  }
0xc2: {  	[sflag:s17] =	ssyncadd.s32 $0xFFFFC180  }
0xc3: {  	[tilespmem:s20], [sflag:$0x2] =	stream.indirect.gather [hbm4b:s4+s19], $0x80, s23, s19, $0xb8;
	[tilespmem:$0x1DD80] =	vst v63  }
0xc4: {  	_ =	swait.ge [sflag:s21], $0x3E80  }
0xc5: {  	[sflag:s21] =	ssyncset.done $0x0  }
0xc6: {  	[sflag:s21] =	ssyncadd.s32 $0xFFFFC180  }
0xc7: {  	[spmem:s1] =	stream.indirect.scatter.add.f32 [tilespmem:s16], [sflag:$0x3], $0x80, s24, s19, $0xb8;
	[tilespmem:$0x1DD80] =	vst v63  }
0xc8: {  	_ =	swait.ge [sflag:s17], $0x3E80  }
0xc9: {  	[sflag:s17] =	ssyncset.done $0x0  }
0xca: {  	[sflag:s17] =	ssyncadd.s32 $0xFFFFC180  }
0xcb: {  	[tilespmem:s16], [sflag:$0x1] =	stream.indirect.gather [hbm4b:s4+s19], $0x80, s23, s19, $0xb8;
	[tilespmem:$0x1DD80] =	vst v63  }
0xcc: {  	_ =	swait.ge [sflag:s22], $0x3E80  }
0xcd: {  	[sflag:s22] =	ssyncset.done $0x0  }
0xce: {  	[sflag:s22] =	ssyncadd.s32 $0xFFFFC180  }
0xcf: {  	[spmem:s1] =	stream.indirect.scatter.add.f32 [tilespmem:s20], [sflag:$0x3], $0x80, s26, s19, $0xb8;
	[tilespmem:$0x1DD80] =	vst v63  }
0xd0: {  	_ =	swait.ge [sflag:s17], $0x3E80  }
0xd1: {  	[sflag:s17] =	ssyncset.done $0x0  }
0xd2: {  	[sflag:s17] =	ssyncadd.s32 $0xFFFFC180  }
0xd3: {  	_ =	swait.ge [sflag:s21], $0x3E80  }
0xd4: {  	s3 =	sadd.s32 $0x1, s3;
	[sflag:s21] =	ssyncset.done $0x0  }
0xd5: {  	p0 =	sne.s32 s3, s15;
	s31 =	sshll.u32 s2, $0x6;
	[sflag:s21] =	ssyncadd.s32 $0xFFFFC180  }
.Ltmp3:
0xd6: {  	s0 =	sor.u32 $0x1C03, s31;
	[bflag:$0x0] =	sbarrier.arrive $0xFFFF;
	(pc) =	sbr.rel @p0 .LBB2_1-.Ltmp3, $4  }
0xd7: {  	[hbm:s14], [sflag:s0] =	dma.local [spmem:s25], $0x2800  }
0xd8: {  	_ =	swait.ge [sflag:s17], $0x2800  }
0xd9: {  	[sflag:s17] =	ssyncset.done $0x0  }
0xda: {  	[sflag:s17] =	ssyncadd.s32 $0xFFFFD800  }
0xdb: {  	_ =	sfence.sel $0x180000  }
0xdc: {  	[bflag:$0x0] =	sbarrier.arrive $0xFFFF  }
0xdd: {  	_ =	strace $0x9000004A  }
0xde: {  	[bflag:$0x2] =	sbarrier.arrive $0xFFFF  }
0xdf: {  	p0 =	sne.s32 s2, $0x0;
	s0 =	rddreg [dreg:$0x3]  }
0xe0: {  	s0 =	sadd.s32 @!p0 $0x100000, s0  }
0xe1: {  	[sflag:s0] =	ssyncadd.tile.s32 @!p0 $0x1;
	_ =	shalt  }
.Lfunc_end2:
_tile_overlayer_lowered:
.L_overlay_start_2:
0xe2: {  	(tag) =	ssettag $0x2  }
0xe3: {  	s0 =	rddreg [dreg:$0x0];
	s2 =	stileid.u32  }
0xe4: {  	s1 =	rddreg [dreg:$0x1];
	p0 =	sne.s32 s2, $0x0  }
0xe5: {  	s3 =	rddreg [dreg:$0x2];
	[bflag:$0x3] =	sbarrier.arrive $0xFFFF;
	s2 =	simm.s32 @!p0 $0x1C03  }
0xe6: {  	[timem:s3], [sflag:s2] =	dma.local @!p0 [hbm:s0], s1  }
0xe7: {  	s0 =	simm.s32 @!p0 $0x3  }
0xe8: {  	_ =	swait.ge @!p0 [sflag:s0], s1  }
0xe9: {  	s1 =	ssub.s32 @!p0 $0x0, s1;
	[sflag:s0] =	ssyncset.done @!p0 $0x0  }
0xea: {  	[sflag:s0] =	ssyncadd.s32 @!p0 s1  }
0xeb: {  	[bflag:$0x3] =	sbarrier.arrive $0xFFFF  }
0xec: {  	_ =	shalt  }

// kernel: kernel.14.cloned.1.call-start
scs
__scs_entry_jumppad:
0x0: {  	(pc) =	sbr.rel $0x88, $3  }
0x1: {  	(tag) =	ssettag $0x0;
	lr =	simm.s32 $0x1  }
0x2: {  	[smem:$0x3F9B] =	sst lr;
	_ =	strace $0xD0000000  }
0x3: {  	_ = 	snop  }
0x4: {  	_ = 	snop  }
0x5: {  	_ = 	snop  }
0x6: {  	_ = 	snop  }
0x7: {  	_ = 	snop  }
__scs_overlays_trampoline_lowered:
0x8: {  	[smem:$0x3FAA] =	sst s0  }
0x9: {  	[smem:$0x3FAB] =	sst s1  }
0xa: {  	[smem:$0x3FAC] =	sst s2  }
0xb: {  	[smem:$0x3FAD] =	sst s3  }
0xc: {  	[smem:$0x3FAE] =	sst s4  }
0xd: {  	[smem:$0x3FAF] =	sst s5  }
0xe: {  	[smem:$0x3FB0] =	sst s6  }
0xf: {  	[smem:$0x3FB1] =	sst s7  }
0x10: {  	[smem:$0x3FB2] =	sst s8  }
0x11: {  	[smem:$0x3FB3] =	sst s9;
	s0 =	simm.s32 @!p0 $0x0  }
0x12: {  	s1 =	sld [smem:$0x3F99];
	s0 =	simm.s32 @p0 $0x1  }
0x13: {  	[smem:$0x3FB4] =	sst s0;
	s0 =	simm.s32 @!p1 $0x0  }
0x14: {  	s2 =	sld [smem:$0x3F98];
	s0 =	simm.s32 @p1 $0x1  }
0x15: {  	[smem:$0x3FB5] =	sst s0;
	s0 =	simm.s32 @!p2 $0x0  }
0x16: {  	s3 =	sld [smem:$0x3FDB];
	s0 =	simm.s32 @p2 $0x1  }
0x17: {  	s4 =	simm.s32 $0x1BF5;
	[smem:$0x3FB7] =	sst s0  }
0x18: {  	s0 =	sld [smem:$0x3F9A];
	_ =	swait.ge [sflag:s4], $0x0  }
0x19: {  	s7 =	sld [smem:$0x3F9B]  }
0x1a: {  	s8 =	sadd.s32 $0xFFFFE003, lr  }
0x1b: {  	s9 =	sadd.s32 $0xFFFFFEF7, lr;
	s5 =	simm.s32 $0xFFFFFFFF;
	p2 =	slt.u32 s8, $0xFFFFF086  }
0x1c: {  	p1 =	slt.u32 s9, $0xF7A;
	s5 =	simm.s32 @!p2 $0x0  }
0x1d: {  	s5 =	simm.s32 @p1 $0x1;
	p0 =	seq.s32 s7, s2  }
0x1e: {  	s7 =	smul.u32 @!p0 $0xF7A, s2;
	p2 =	seq.s32 @!p0 s5, $0x0  }
0x1f: {  	s9 =	smul.u32 $0xF7A, s1;
	s8 =	simm.s32 @!p0 $0x1BF5;
	p2 =	por !p2, p0  }
0x20: {  	[sflag:s8] =	ssyncset.s32 @!p0 $0xFFFFF086;
	s6 =	sadd.s32 @!p0 s3, s7;
	s7 =	simm.s32 @!p0 $0x108  }
0x21: {  	s3 =	sadd.s32 s3, s9;
	s6 =	sadd.s32 @!p0 $0x88, s6;
	s7 =	simm.s32 @p2 $0x1082  }
0x22: {  	[simem:s7], [sflag:s8] =	dma.local @!p0 [hbm:s6], $0xF7A  }
0x23: {  	s9 =	sor.u32 $0xD0000000, s2;
	s6 =	simm.s32 $0x108;
	_ =	swait.ge @!p0 [sflag:s8], $0x0  }
0x24: {  	s3 =	sadd.s32 $0x88, s3;
	s6 =	simm.s32 @!p1 $0x1082;
	[sflag:s4] =	ssyncset.s32 $0xFFFFF086  }
0x25: {  	[simem:s6], [sflag:s4] =	dma.local [hbm:s3], $0xF7A  }
0x26: {  	[smem:$0x3F9B] =	sst s1;
	(tag) =	ssettag s2;
	_ =	strace s9  }
0x27: {  	s1 =	sld [smem:$0x3FAB]  }
0x28: {  	s2 =	sld [smem:$0x3FAC]  }
0x29: {  	s4 =	sld [smem:$0x3FAE]  }
0x2a: {  	p0 =	seq.s32 s5, $0x0;
	s5 =	sld [smem:$0x3FAF]  }
0x2b: {  	s6 =	sld [smem:$0x3FB0]  }
0x2c: {  	s7 =	sld [smem:$0x3FB1]  }
0x2d: {  	s3 =	simm.s32 $0x108;
	s8 =	sld [smem:$0x3FB2]  }
0x2e: {  	s3 =	simm.s32 @!p0 $0x1082;
	s9 =	sld [smem:$0x3FB3]  }
0x2f: {  	lr =	sadd.s32 s0, s3;
	s0 =	sld [smem:$0x3FAA]  }
0x30: {  	s3 =	sld [smem:$0x3FAD]  }
0x31: {  	[smem:$0x3FB6] =	sst s10  }
0x32: {  	s10 =	sld [smem:$0x3FB4];
	_ =	sdelay $0x3  }
0x33: {  	p0 =	seq.s32 s10, $0x1;
	s10 =	sld [smem:$0x3FB6];
	_ =	sdelay $0x3  }
0x34: {  	[smem:$0x3FB6] =	sst s10  }
0x35: {  	s10 =	sld [smem:$0x3FB5];
	_ =	sdelay $0x3  }
0x36: {  	p1 =	seq.s32 s10, $0x1;
	s10 =	sld [smem:$0x3FB6];
	_ =	sdelay $0x3  }
0x37: {  	[smem:$0x3FB6] =	sst s10  }
0x38: {  	s10 =	sld [smem:$0x3FB7]  }
0x39: {  	_ = 	snop;
	(pc) =	sbr.ind lr, $3  }
0x3a: {  	_ = 	snop  }
0x3b: {  	_ = 	snop  }
0x3c: {  	p2 =	seq.s32 s10, $0x1;
	s10 =	sld [smem:$0x3FB6]  }
0x3d: {  	_ =	shalt  }
0x3e: {  	_ =	shalt  }
0x3f: {  	_ =	shalt  }
0x40: {  	_ =	shalt  }
0x41: {  	_ =	shalt  }
0x42: {  	_ =	shalt  }
0x43: {  	_ =	shalt  }
0x44: {  	_ =	shalt  }
0x45: {  	_ =	shalt  }
0x46: {  	_ =	shalt  }
0x47: {  	_ =	shalt  }
0x48: {  	_ =	shalt  }
0x49: {  	_ =	shalt  }
0x4a: {  	_ =	shalt  }
0x4b: {  	_ =	shalt  }
0x4c: {  	_ =	shalt  }
0x4d: {  	_ =	shalt  }
0x4e: {  	_ =	shalt  }
0x4f: {  	_ =	shalt  }
0x50: {  	_ =	shalt  }
0x51: {  	_ =	shalt  }
0x52: {  	_ =	shalt  }
0x53: {  	_ =	shalt  }
0x54: {  	_ =	shalt  }
0x55: {  	_ =	shalt  }
0x56: {  	_ =	shalt  }
0x57: {  	_ =	shalt  }
0x58: {  	_ =	shalt  }
0x59: {  	_ =	shalt  }
0x5a: {  	_ =	shalt  }
0x5b: {  	_ =	shalt  }
0x5c: {  	_ =	shalt  }
0x5d: {  	_ =	shalt  }
0x5e: {  	_ =	shalt  }
0x5f: {  	_ =	shalt  }
0x60: {  	_ =	shalt  }
0x61: {  	_ =	shalt  }
0x62: {  	_ =	shalt  }
0x63: {  	_ =	shalt  }
0x64: {  	_ =	shalt  }
0x65: {  	_ =	shalt  }
0x66: {  	_ =	shalt  }
0x67: {  	_ =	shalt  }
0x68: {  	_ =	shalt  }
0x69: {  	_ =	shalt  }
0x6a: {  	_ =	shalt  }
0x6b: {  	_ =	shalt  }
0x6c: {  	_ =	shalt  }
0x6d: {  	_ =	shalt  }
0x6e: {  	_ =	shalt  }
0x6f: {  	_ =	shalt  }
0x70: {  	_ =	shalt  }
0x71: {  	_ =	shalt  }
0x72: {  	_ =	shalt  }
0x73: {  	_ =	shalt  }
0x74: {  	_ =	shalt  }
0x75: {  	_ =	shalt  }
0x76: {  	_ =	shalt  }
0x77: {  	_ =	shalt  }
0x78: {  	_ =	shalt  }
0x79: {  	_ =	shalt  }
0x7a: {  	_ =	shalt  }
0x7b: {  	_ =	shalt  }
0x7c: {  	_ =	shalt  }
0x7d: {  	_ =	shalt  }
0x7e: {  	_ =	shalt  }
0x7f: {  	_ =	shalt  }
0x80: {  	_ =	shalt  }
0x81: {  	_ =	shalt  }
0x82: {  	_ =	shalt  }
0x83: {  	_ =	shalt  }
0x84: {  	_ =	shalt  }
0x85: {  	_ =	shalt  }
0x86: {  	_ =	shalt  }
0x87: {  	_ =	shalt  }
.Lfunc_end0:
.L_simem_size_0:
called_computation.2_lowered:
.L_overlay_start_0:
0x88: {  	s2 =	sld [smem:$0x3FD9]  }
0x89: {  	s3 =	sld [smem:$0x3FFE];
	_ =	sdelay $0x1  }
0x8a: {  	s1 =	srdreg.scid  }
0x8b: {  	s0 =	sand.u32 $0x1, s1  }
0x8c: {  	s17 =	sshll.u32 s0, $0xA;
	s2 =	sadd.s32 s3, s2  }
0x8d: {  	s2 =	sadd.s32 s2, s17  }
0x8e: {  	[smem:$0x3FC2] =	sst s2  }
0x8f: {  	_ = 	snop  }
0x90: {  	s2 =	sld [smem:$0x3FD0];
	(tm) =	ssettm $0x1  }
0x91: {  	s18 =	sld [smem:$0x3FFB];
	_ =	sdelay $0x3  }
0x92: {  	_ =	strace s18  }
0x93: {  	s3 =	sld [smem:$0x3FFC];
	_ =	sdelay $0x3  }
0x94: {  	_ =	strace s3  }
0x95: {  	s3 =	sld [smem:$0x3FFD];
	_ =	sdelay $0x3  }
0x96: {  	_ =	strace s3  }
0x97: {  	_ =	strace $0x8FFFFFFF  }
0x98: {  	s19 =	sld [smem:$0x3FDB];
	_ =	sdelay $0x1  }
0x99: {  	s4 =	simm.s32 $_scs_section_size  }
0x9a: {  	s5 =	simm.s32 $_size__tile_overlayer_lowered;
	s6 =	simm.s32 $_tile_overlayer_lowered  }
0x9b: {  	s22 =	simm.s32 $0x1BFF;
	s21 =	sshll.u32 s6, $0x1;
	s3 =	sadd.s32 s4, s19  }
0x9c: {  	s7 =	simm.s32 $0x0;
	s20 =	sshll.u32 s5, $0x1;
	s5 =	sadd.s32 s21, s3  }
0x9d: {  	[timem:s7], [sflag:s22] =	dma.local [hbm:s5], s20  }
0x9e: {  	_ =	swait.ge [sflag:s22], s20  }
0x9f: {  	s4 =	ssub.s32 $0x0, s20;
	[sflag:s22] =	ssyncset.done $0x0  }
0xa0: {  	[sflag:s22] =	ssyncadd.s32 s4;
	_ =	sdelay $0x1  }
0xa1: {  	s23 =	simm.s32 $0x1B8B  }
0xa2: {  	_ =	swait.ge [sflag:s23], $0x1  }
0xa3: {  	[sflag:s23] =	ssyncset.done $0x0  }
0xa4: {  	s25 =	simm.s32 $0x1B8E;
	s24 =	sld [smem:$0x3FFE];
	[sflag:s23] =	ssyncadd.s32 $0xFFFFFFFF  }
0xa5: {  	s26 =	simm.s32 $execute0_lowered;
	[smem:$0x3FD2] =	sst s25  }
0xa6: {  	s5 =	sshll.u32 s26, $0x1;
	_ =	strace $0x8000004C;
	[dreg:$0x1] =	wrdreg $0xFFFFFFFF  }
0xa7: {  	s28 =	simm.s32 $_size_execute0_lowered;
	s3 =	sadd.s32 s3, s5;
	[dreg:$0x0] =	wrdreg $0x0  }
0xa8: {  	s5 =	sshll.u32 s28, $0x1;
	[dreg:$0x2] =	wrdreg s3  }
0xa9: {  	[dreg:$0x3] =	wrdreg s5  }
0xaa: {  	[dreg:$0x4] =	wrdreg $0xC0  }
0xab: {  	_ =	task [dreg:s7], $0x5FFFF  }
0xac: {  	[dreg:$0x1] =	wrdreg $0xFFFFFFFF  }
0xad: {  	[dreg:$0x0] =	wrdreg $0x60  }
0xae: {  	[dreg:$0x2] =	wrdreg s24  }
0xaf: {  	[dreg:$0x3] =	wrdreg s2  }
0xb0: {  	[dreg:$0x4] =	wrdreg $0x7EE00  }
0xb1: {  	[dreg:$0x5] =	wrdreg $0x9  }
0xb2: {  	_ =	task.clear_ibuf [dreg:s7], $0x6FFFF;
	_ =	strace $0x9000004C  }
0xb3: {  	s29 =	simm.s32 $0x9;
	_ =	strace $0x8000004E  }
0xb4: {  	_ =	swait.ge [sflag:s29], $0x1  }
0xb5: {  	[sflag:s29] =	ssyncadd.s32 $0xFFFFFFFF  }
0xb6: {  	_ =	strace $0x9000004E  }
0xb7: {  	_ =	sfence  }
0xb8: {  	s30 =	sld [smem:$0x0];
	_ =	sdelay $0x2  }
0xb9: {  	s31 =	sshll.u32 s1, $0xD;
	s1 =	sshrl.u32 s1, $0x2  }
0xba: {  	s3 =	sand.u32 $0x4000, s31;
	s1 =	sadd.s32 s1, s30  }
0xbb: {  	s0 =	sor.u32 s3, s0;
	s1 =	sshll.u32 s1, $0x11  }
0xbc: {  	s0 =	sor.u32 s1, s0  }
0xbd: {  	s0 =	sadd.s32 $0x8F2B, s0  }
0xbe: {  	[sflag:s0] =	ssyncadd.remote.s32 $0x1  }
0xbf: {  	_ =	sfence.sel $0xFFFF  }
0xc0: {  	[dreg:$0x0] =	wrdreg $0xFFFFFFFF;
	(pc) =	sbr.abs _section_cstart, $3  }
0xc1: {  	[dreg:$0x1] =	wrdreg $0xFFFFFFFF  }
0xc2: {  	_ =	task.clear_ibuf [dreg:s7], $0x2FFFF;
	_ =	strace $0x9FFFFFFF  }
0xc3: {  	(tm) =	ssettm $0x7FFFFFFF  }
tec
execute0_lowered:
.L_overlay_start_1:
0x0: {  	(tag) =	ssettag $0x1  }
0x1: {  	s6 =	rddreg [dreg:$0x0]  }
0x2: {  	s11 =	rddreg [dreg:$0x1]  }
0x3: {  	s0 =	srdreg.scid;
	s2 =	rddreg [dreg:$0x2];
	s3 =	simm.s32 $0x0  }
0x4: {  	s16 =	simm.s32 $0x2800;
	s17 =	simm.s32 $0x7D;
	s18 =	simm.s32 $0x6770  }
0x5: {  	s19 =	simm.s32 $0x1;
	s20 =	simm.s32 $0x2;
	s5 =	sand.u32 $0x1, s0  }
0x6: {  	s21 =	simm.s32 $0x2780;
	s0 =	stileid.u32;
	s7 =	smul.u32 $0xEA60, s5  }
0x7: {  	s22 =	simm.s32 $0x4F00;
	s23 =	simm.s32 $0x4F80;
	s8 =	smul.u32 $0xEA0, s0  }
0x8: {  	[smem:$0x7FF] =	sst s3;
	s1 =	sshll.u32 s5, $0x4;
	s9 =	smul.u32 $0x1D4C0, s0  }
0x9: {  	s5 =	ssub.s32 $0x2, s5;
	s15 =	smul.u32 $0x1D400, s0;
	s1 =	sor.u32 s0, s1  }
0xa: {  	s4 =	sadd.s32 $0x16000, s6;
	s30 =	sshrl.u32 s5, $0x1;
	s12 =	smul.u32 $0x500, s1  }
0xb: {  	s1 =	rddreg [dreg:$0x3];
	_ =	strace $0x8000004D;
	s7 =	sadd.s32 s8, s7  }
0xc: {  	s31 =	sshrl.u32 s9, $0x2;
	s14 =	ssub.s32 s5, s30;
	s15 =	sshrl.u32 s15, $0x2  }
0xd: {  	s13 =	sadd.s32 s7, s6;
	s5 =	sadd.s32 s31, s2;
	s24 =	sadd.s32 s15, s2  }
0xe: {  	s15 =	simm.s32 $0x3;
	s10 =	sadd.s32 s12, s6;
	s6 =	sadd.s32 $0x1770, s5  }
0xf: {  	s7 =	sadd.s32 $0x2EE0, s5;
	s8 =	sadd.s32 $0x4650, s5;
	s9 =	sadd.s32 $0x5DC0, s5  }
0x10: {  	s11 =	sadd.s32 s11, s12;
	s12 =	sadd.s32 $0x24C00, s13;
	s13 =	smax.u32 s14, $0x1  }
0x11: {  	v0 =	vimm.f32 $0.0e+00;
	s14 =	simm.s32 $0x5000;
	s24 =	sshrl.u32 s24, $0x3;
	s10 =	sadd.s32 $0xC000, s10  }
.LBB2_1:
0x12: {  	s25 =	simm.s32 $0xC0;
	s26 =	simm.s32 $0x0  }
.LBB2_2:
0x13: {  	p0 =	sne.s32 s25, $0x5D00;
	[tilespmem:s26+$0x5020] =	vst v0;
	s28 =	smov.u32 s25;
	s25 =	sadd.s32 $0xC0, s25  }
.Ltmp0:
0x14: {  	[tilespmem:s26+$0x5000] =	vst v0;
	(pc) =	sbr.rel @p0 .LBB2_2-.Ltmp0, $2  }
0x15: {  	[tilespmem:s26+$0x5010] =	vst v0;
	_ =	sdelay $0x2  }
0x16: {  	s26 =	sshra.s32 s28, $0x2  }
0x17: {  	[tilespmem:s26+$0x5020] =	vst v0  }
0x18: {  	[tilespmem:s26+$0x5000] =	vst v0  }
0x19: {  	[tilespmem:s26+$0x5010] =	vst v0  }
0x1a: {  	[spmem:s5] =	stream.linear.scatter [tilespmem:s14], [sflag:$0x3], $0x1770, $0x38;
	[tilespmem:$0xF410] =	vst v63  }
0x1b: {  	_ =	swait.ge [sflag:s15], $0x1770  }
0x1c: {  	[sflag:s15] =	ssyncset.done $0x0  }
0x1d: {  	[sflag:s15] =	ssyncadd.s32 $0xFFFFE890  }
0x1e: {  	[spmem:s6] =	stream.linear.scatter [tilespmem:s14], [sflag:$0x3], $0x1770, $0x38;
	[tilespmem:$0xF410] =	vst v63  }
0x1f: {  	_ =	swait.ge [sflag:s15], $0x1770  }
0x20: {  	[sflag:s15] =	ssyncset.done $0x0  }
0x21: {  	[sflag:s15] =	ssyncadd.s32 $0xFFFFE890  }
0x22: {  	[spmem:s7] =	stream.linear.scatter [tilespmem:s14], [sflag:$0x3], $0x1770, $0x38;
	[tilespmem:$0xF410] =	vst v63  }
0x23: {  	_ =	swait.ge [sflag:s15], $0x1770  }
0x24: {  	[sflag:s15] =	ssyncset.done $0x0  }
0x25: {  	[sflag:s15] =	ssyncadd.s32 $0xFFFFE890  }
0x26: {  	[spmem:s8] =	stream.linear.scatter [tilespmem:s14], [sflag:$0x3], $0x1770, $0x38;
	[tilespmem:$0xF410] =	vst v63  }
0x27: {  	_ =	swait.ge [sflag:s15], $0x1770  }
0x28: {  	[sflag:s15] =	ssyncset.done $0x0  }
0x29: {  	[sflag:s15] =	ssyncadd.s32 $0xFFFFE890  }
0x2a: {  	[spmem:s9] =	stream.linear.scatter [tilespmem:s14], [sflag:$0x3], $0x1770, $0x38;
	[tilespmem:$0xF410] =	vst v63  }
0x2b: {  	_ =	swait.ge [sflag:s15], $0x1770  }
0x2c: {  	[sflag:s15] =	ssyncset.done $0x0  }
0x2d: {  	[sflag:s15] =	ssyncadd.s32 $0xFFFFE890  }
0x2e: {  	s25 =	simm.s32 $0x0;
	[bflag:$0x0] =	sbarrier.arrive $0xFFFF  }
0x2f: {  	[tilespmem:s25], [sflag:$0x3] =	stream.linear.gather [hbm4b:s10+s25], $0x2800, $0x38;
	[tilespmem:$0xF410] =	vst v63  }
0x30: {  	_ =	swait.ge [sflag:s15], $0x2800  }
0x31: {  	[sflag:s15] =	ssyncset.done $0x0  }
0x32: {  	[sflag:s15] =	ssyncadd.s32 $0xFFFFD800  }
0x33: {  	[tilespmem:s16], [sflag:$0x3] =	stream.linear.gather [hbm4b:s11+s25], $0x2800, $0x38;
	[tilespmem:$0xF410] =	vst v63  }
0x34: {  	_ =	swait.ge [sflag:s15], $0x2800  }
0x35: {  	[sflag:s15] =	ssyncset.done $0x0  }
0x36: {  	[sflag:s15] =	ssyncadd.s32 $0xFFFFD800  }
0x37: {  	[tilespmem:s14], [sflag:$0x1] =	stream.indirect.gather [hbm4b:s4+s17], $0x30, s25, s17, $0xb8;
	[tilespmem:$0xF410] =	vst v63  }
0x38: {  	s28 =	simm.s32 $0x80  }
0x39: {  	[tilespmem:s18], [sflag:$0x2] =	stream.indirect.gather [hbm4b:s4+s17], $0x30, s28, s17, $0xb8;
	[tilespmem:$0xF410] =	vst v63  }
0x3a: {  	_ =	swait.ge [sflag:s19], $0x1770  }
0x3b: {  	[sflag:s19] =	ssyncset.done $0x0  }
0x3c: {  	s29 =	simm.s32 $0x2800;
	[sflag:s19] =	ssyncadd.s32 $0xFFFFE890  }
0x3d: {  	[spmem:s2] =	stream.indirect.scatter.add.f32 [tilespmem:s14], [sflag:$0x3], $0x30, s29, s17, $0xb8;
	[tilespmem:$0xF410] =	vst v63  }
0x3e: {  	_ =	swait.ge [sflag:s15], $0x1770  }
0x3f: {  	[sflag:s15] =	ssyncset.done $0x0  }
0x40: {  	s30 =	simm.s32 $0x100;
	[sflag:s15] =	ssyncadd.s32 $0xFFFFE890  }
0x41: {  	[tilespmem:s14], [sflag:$0x1] =	stream.indirect.gather [hbm4b:s4+s17], $0x30, s30, s17, $0xb8;
	[tilespmem:$0xF410] =	vst v63  }
0x42: {  	_ =	swait.ge [sflag:s20], $0x1770  }
0x43: {  	[sflag:s20] =	ssyncset.done $0x0  }
0x44: {  	s31 =	simm.s32 $0x2880;
	[sflag:s20] =	ssyncadd.s32 $0xFFFFE890  }
0x45: {  	[spmem:s2] =	stream.indirect.scatter.add.f32 [tilespmem:s18], [sflag:$0x3], $0x30, s31, s17, $0xb8;
	[tilespmem:$0xF410] =	vst v63  }
0x46: {  	_ =	swait.ge [sflag:s15], $0x1770  }
0x47: {  	s26 =	simm.s32 $0x800;
	s25 =	simm.s32 $0x100;
	[sflag:s15] =	ssyncset.done $0x0  }
.LBB2_4:
0x48: {  	s28 =	sadd.s32 $0x80, s25  }
0x49: {  	[sflag:s15] =	ssyncadd.s32 $0xFFFFE890;
	s29 =	smov.u32 s26;
	s30 =	sadd.s32 $0x400, s26  }
0x4a: {  	[tilespmem:s18], [sflag:$0x2] =	stream.indirect.gather [hbm4b:s4+s17], $0x30, s28, s17, $0xb8;
	[tilespmem:$0xF410] =	vst v63  }
0x4b: {  	p0 =	sne.s32 s26, $0x9800;
	_ =	swait.ge [sflag:s19], $0x1770  }
0x4c: {  	[sflag:s19] =	ssyncset.done $0x0  }
0x4d: {  	s26 =	sadd.s32 $0x2800, s25;
	[sflag:s19] =	ssyncadd.s32 $0xFFFFE890  }
0x4e: {  	[spmem:s2] =	stream.indirect.scatter.add.f32 [tilespmem:s14], [sflag:$0x3], $0x30, s26, s17, $0xb8;
	[tilespmem:$0xF410] =	vst v63  }
0x4f: {  	_ =	swait.ge [sflag:s15], $0x1770  }
0x50: {  	[sflag:s15] =	ssyncset.done $0x0  }
0x51: {  	s26 =	sadd.s32 $0x100, s25;
	[sflag:s15] =	ssyncadd.s32 $0xFFFFE890  }
0x52: {  	[tilespmem:s14], [sflag:$0x1] =	stream.indirect.gather [hbm4b:s4+s17], $0x30, s26, s17, $0xb8;
	[tilespmem:$0xF410] =	vst v63  }
0x53: {  	_ =	swait.ge [sflag:s20], $0x1770  }
.Ltmp1:
0x54: {  	[sflag:s20] =	ssyncset.done $0x0;
	(pc) =	sbr.rel @p0 .LBB2_4-.Ltmp1, $4  }
0x55: {  	s25 =	sadd.s32 $0x2880, s25;
	[sflag:s20] =	ssyncadd.s32 $0xFFFFE890  }
0x56: {  	[spmem:s2] =	stream.indirect.scatter.add.f32 [tilespmem:s18], [sflag:$0x3], $0x30, s25, s17, $0xb8;
	[tilespmem:$0xF410] =	vst v63  }
0x57: {  	_ =	swait.ge [sflag:s15], $0x1770  }
0x58: {  	s26 =	smov.u32 s30;
	s25 =	sshra.s32 s29, $0x2;
	[sflag:s15] =	ssyncset.done $0x0  }
0x59: {  	s26 =	sadd.s32 $0x80, s25;
	[sflag:s15] =	ssyncadd.s32 $0xFFFFE890  }
0x5a: {  	[tilespmem:s18], [sflag:$0x2] =	stream.indirect.gather [hbm4b:s4+s17], $0x30, s26, s17, $0xb8;
	[tilespmem:$0xF410] =	vst v63  }
0x5b: {  	_ =	swait.ge [sflag:s19], $0x1770  }
0x5c: {  	[sflag:s19] =	ssyncset.done $0x0  }
0x5d: {  	s28 =	sadd.s32 $0x2800, s25;
	[sflag:s19] =	ssyncadd.s32 $0xFFFFE890  }
0x5e: {  	[spmem:s2] =	stream.indirect.scatter.add.f32 [tilespmem:s14], [sflag:$0x3], $0x30, s28, s17, $0xb8;
	[tilespmem:$0xF410] =	vst v63  }
0x5f: {  	_ =	swait.ge [sflag:s15], $0x1770  }
0x60: {  	[sflag:s15] =	ssyncset.done $0x0  }
0x61: {  	s29 =	sadd.s32 $0x100, s25;
	[sflag:s15] =	ssyncadd.s32 $0xFFFFE890  }
0x62: {  	[tilespmem:s14], [sflag:$0x1] =	stream.indirect.gather [hbm4b:s4+s17], $0x30, s29, s17, $0xb8;
	[tilespmem:$0xF410] =	vst v63  }
0x63: {  	_ =	swait.ge [sflag:s20], $0x1770  }
0x64: {  	[sflag:s20] =	ssyncset.done $0x0  }
0x65: {  	s30 =	sadd.s32 $0x2880, s25;
	[sflag:s20] =	ssyncadd.s32 $0xFFFFE890  }
0x66: {  	[spmem:s2] =	stream.indirect.scatter.add.f32 [tilespmem:s18], [sflag:$0x3], $0x30, s30, s17, $0xb8;
	[tilespmem:$0xF410] =	vst v63  }
0x67: {  	_ =	swait.ge [sflag:s15], $0x1770  }
0x68: {  	[sflag:s15] =	ssyncset.done $0x0  }
0x69: {  	[sflag:s15] =	ssyncadd.s32 $0xFFFFE890  }
0x6a: {  	[tilespmem:s18], [sflag:$0x2] =	stream.indirect.gather [hbm4b:s4+s17], $0x30, s21, s17, $0xb8;
	[tilespmem:$0xF410] =	vst v63  }
0x6b: {  	_ =	swait.ge [sflag:s19], $0x1770  }
0x6c: {  	[sflag:s19] =	ssyncset.done $0x0  }
0x6d: {  	[sflag:s19] =	ssyncadd.s32 $0xFFFFE890  }
0x6e: {  	[spmem:s2] =	stream.indirect.scatter.add.f32 [tilespmem:s14], [sflag:$0x3], $0x30, s22, s17, $0xb8;
	[tilespmem:$0xF410] =	vst v63  }
0x6f: {  	_ =	swait.ge [sflag:s15], $0x1770  }
0x70: {  	[sflag:s15] =	ssyncset.done $0x0  }
0x71: {  	[sflag:s15] =	ssyncadd.s32 $0xFFFFE890  }
0x72: {  	[tilespmem:s14], [sflag:$0x1] =	stream.indirect.gather [hbm4b:s4+s17], $0x30, s21, s17, $0xb8;
	[tilespmem:$0xF410] =	vst v63  }
0x73: {  	_ =	swait.ge [sflag:s20], $0x1770  }
0x74: {  	[sflag:s20] =	ssyncset.done $0x0  }
0x75: {  	[sflag:s20] =	ssyncadd.s32 $0xFFFFE890  }
0x76: {  	[spmem:s2] =	stream.indirect.scatter.add.f32 [tilespmem:s18], [sflag:$0x3], $0x30, s23, s17, $0xb8;
	[tilespmem:$0xF410] =	vst v63  }
0x77: {  	_ =	swait.ge [sflag:s15], $0x1770  }
0x78: {  	[sflag:s15] =	ssyncset.done $0x0  }
0x79: {  	[sflag:s15] =	ssyncadd.s32 $0xFFFFE890  }
0x7a: {  	_ =	swait.ge [sflag:s19], $0x1770  }
0x7b: {  	s3 =	sadd.s32 $0x1, s3;
	[sflag:s19] =	ssyncset.done $0x0  }
0x7c: {  	s31 =	sshll.u32 s0, $0x6;
	p0 =	sne.s32 s3, s13;
	[sflag:s19] =	ssyncadd.s32 $0xFFFFE890  }
.Ltmp2:
0x7d: {  	s25 =	sor.u32 $0x1C03, s31;
	[bflag:$0x0] =	sbarrier.arrive $0xFFFF;
	(pc) =	sbr.rel @p0 .LBB2_1-.Ltmp2, $4  }
0x7e: {  	[hbm:s12], [sflag:s25] =	dma.local [spmem:s24], $0xF00  }
0x7f: {  	_ =	swait.ge [sflag:s15], $0xF00  }
0x80: {  	[sflag:s15] =	ssyncset.done $0x0  }
0x81: {  	[sflag:s15] =	ssyncadd.s32 $0xFFFFF100  }
0x82: {  	_ =	sfence.sel $0x180000  }
0x83: {  	[bflag:$0x0] =	sbarrier.arrive $0xFFFF  }
0x84: {  	p0 =	sne.s32 s0, $0x0;
	_ =	strace $0x9000004D  }
0x85: {  	s0 =	sadd.s32 @!p0 $0x100000, s1;
	[bflag:$0x2] =	sbarrier.arrive $0xFFFF  }
0x86: {  	[sflag:s0] =	ssyncadd.tile.s32 @!p0 $0x1;
	_ =	shalt  }
.Lfunc_end2:
_tile_overlayer_lowered:
.L_overlay_start_2:
0x87: {  	(tag) =	ssettag $0x2  }
0x88: {  	s0 =	rddreg [dreg:$0x0];
	s2 =	stileid.u32  }
0x89: {  	s1 =	rddreg [dreg:$0x1];
	p0 =	sne.s32 s2, $0x0  }
0x8a: {  	s3 =	rddreg [dreg:$0x2];
	[bflag:$0x3] =	sbarrier.arrive $0xFFFF;
	s2 =	simm.s32 @!p0 $0x1C03  }
0x8b: {  	[timem:s3], [sflag:s2] =	dma.local @!p0 [hbm:s0], s1  }
0x8c: {  	s0 =	simm.s32 @!p0 $0x3  }
0x8d: {  	_ =	swait.ge @!p0 [sflag:s0], s1  }
0x8e: {  	s1 =	ssub.s32 @!p0 $0x0, s1;
	[sflag:s0] =	ssyncset.done @!p0 $0x0  }
0x8f: {  	[sflag:s0] =	ssyncadd.s32 @!p0 s1  }
0x90: {  	[bflag:$0x3] =	sbarrier.arrive $0xFFFF  }
0x91: {  	_ =	shalt  }

// kernel: kernel.8.cloned.1.call-start
scs
__scs_entry_jumppad:
0x0: {  	(pc) =	sbr.rel $0x88, $3  }
0x1: {  	(tag) =	ssettag $0x0;
	lr =	simm.s32 $0x1  }
0x2: {  	[smem:$0x3F9B] =	sst lr;
	_ =	strace $0xD0000000  }
0x3: {  	_ = 	snop  }
0x4: {  	_ = 	snop  }
0x5: {  	_ = 	snop  }
0x6: {  	_ = 	snop  }
0x7: {  	_ = 	snop  }
__scs_overlays_trampoline_lowered:
0x8: {  	[smem:$0x3FAA] =	sst s0  }
0x9: {  	[smem:$0x3FAB] =	sst s1  }
0xa: {  	[smem:$0x3FAC] =	sst s2  }
0xb: {  	[smem:$0x3FAD] =	sst s3  }
0xc: {  	[smem:$0x3FAE] =	sst s4  }
0xd: {  	[smem:$0x3FAF] =	sst s5  }
0xe: {  	[smem:$0x3FB0] =	sst s6  }
0xf: {  	[smem:$0x3FB1] =	sst s7  }
0x10: {  	[smem:$0x3FB2] =	sst s8  }
0x11: {  	[smem:$0x3FB3] =	sst s9;
	s0 =	simm.s32 @!p0 $0x0  }
0x12: {  	s1 =	sld [smem:$0x3F99];
	s0 =	simm.s32 @p0 $0x1  }
0x13: {  	[smem:$0x3FB4] =	sst s0;
	s0 =	simm.s32 @!p1 $0x0  }
0x14: {  	s2 =	sld [smem:$0x3F98];
	s0 =	simm.s32 @p1 $0x1  }
0x15: {  	[smem:$0x3FB5] =	sst s0;
	s0 =	simm.s32 @!p2 $0x0  }
0x16: {  	s3 =	sld [smem:$0x3FDB];
	s0 =	simm.s32 @p2 $0x1  }
0x17: {  	s4 =	simm.s32 $0x1BF5;
	[smem:$0x3FB7] =	sst s0  }
0x18: {  	s0 =	sld [smem:$0x3F9A];
	_ =	swait.ge [sflag:s4], $0x0  }
0x19: {  	s7 =	sld [smem:$0x3F9B]  }
0x1a: {  	s8 =	sadd.s32 $0xFFFFE003, lr  }
0x1b: {  	s9 =	sadd.s32 $0xFFFFFEF7, lr;
	s5 =	simm.s32 $0xFFFFFFFF;
	p2 =	slt.u32 s8, $0xFFFFF086  }
0x1c: {  	p1 =	slt.u32 s9, $0xF7A;
	s5 =	simm.s32 @!p2 $0x0  }
0x1d: {  	s5 =	simm.s32 @p1 $0x1;
	p0 =	seq.s32 s7, s2  }
0x1e: {  	s7 =	smul.u32 @!p0 $0xF7A, s2;
	p2 =	seq.s32 @!p0 s5, $0x0  }
0x1f: {  	s9 =	smul.u32 $0xF7A, s1;
	s8 =	simm.s32 @!p0 $0x1BF5;
	p2 =	por !p2, p0  }
0x20: {  	[sflag:s8] =	ssyncset.s32 @!p0 $0xFFFFF086;
	s6 =	sadd.s32 @!p0 s3, s7;
	s7 =	simm.s32 @!p0 $0x108  }
0x21: {  	s3 =	sadd.s32 s3, s9;
	s6 =	sadd.s32 @!p0 $0x88, s6;
	s7 =	simm.s32 @p2 $0x1082  }
0x22: {  	[simem:s7], [sflag:s8] =	dma.local @!p0 [hbm:s6], $0xF7A  }
0x23: {  	s9 =	sor.u32 $0xD0000000, s2;
	s6 =	simm.s32 $0x108;
	_ =	swait.ge @!p0 [sflag:s8], $0x0  }
0x24: {  	s3 =	sadd.s32 $0x88, s3;
	s6 =	simm.s32 @!p1 $0x1082;
	[sflag:s4] =	ssyncset.s32 $0xFFFFF086  }
0x25: {  	[simem:s6], [sflag:s4] =	dma.local [hbm:s3], $0xF7A  }
0x26: {  	[smem:$0x3F9B] =	sst s1;
	(tag) =	ssettag s2;
	_ =	strace s9  }
0x27: {  	s1 =	sld [smem:$0x3FAB]  }
0x28: {  	s2 =	sld [smem:$0x3FAC]  }
0x29: {  	s4 =	sld [smem:$0x3FAE]  }
0x2a: {  	p0 =	seq.s32 s5, $0x0;
	s5 =	sld [smem:$0x3FAF]  }
0x2b: {  	s6 =	sld [smem:$0x3FB0]  }
0x2c: {  	s7 =	sld [smem:$0x3FB1]  }
0x2d: {  	s3 =	simm.s32 $0x108;
	s8 =	sld [smem:$0x3FB2]  }
0x2e: {  	s3 =	simm.s32 @!p0 $0x1082;
	s9 =	sld [smem:$0x3FB3]  }
0x2f: {  	lr =	sadd.s32 s0, s3;
	s0 =	sld [smem:$0x3FAA]  }
0x30: {  	s3 =	sld [smem:$0x3FAD]  }
0x31: {  	[smem:$0x3FB6] =	sst s10  }
0x32: {  	s10 =	sld [smem:$0x3FB4];
	_ =	sdelay $0x3  }
0x33: {  	p0 =	seq.s32 s10, $0x1;
	s10 =	sld [smem:$0x3FB6];
	_ =	sdelay $0x3  }
0x34: {  	[smem:$0x3FB6] =	sst s10  }
0x35: {  	s10 =	sld [smem:$0x3FB5];
	_ =	sdelay $0x3  }
0x36: {  	p1 =	seq.s32 s10, $0x1;
	s10 =	sld [smem:$0x3FB6];
	_ =	sdelay $0x3  }
0x37: {  	[smem:$0x3FB6] =	sst s10  }
0x38: {  	s10 =	sld [smem:$0x3FB7]  }
0x39: {  	_ = 	snop;
	(pc) =	sbr.ind lr, $3  }
0x3a: {  	_ = 	snop  }
0x3b: {  	_ = 	snop  }
0x3c: {  	p2 =	seq.s32 s10, $0x1;
	s10 =	sld [smem:$0x3FB6]  }
0x3d: {  	_ =	shalt  }
0x3e: {  	_ =	shalt  }
0x3f: {  	_ =	shalt  }
0x40: {  	_ =	shalt  }
0x41: {  	_ =	shalt  }
0x42: {  	_ =	shalt  }
0x43: {  	_ =	shalt  }
0x44: {  	_ =	shalt  }
0x45: {  	_ =	shalt  }
0x46: {  	_ =	shalt  }
0x47: {  	_ =	shalt  }
0x48: {  	_ =	shalt  }
0x49: {  	_ =	shalt  }
0x4a: {  	_ =	shalt  }
0x4b: {  	_ =	shalt  }
0x4c: {  	_ =	shalt  }
0x4d: {  	_ =	shalt  }
0x4e: {  	_ =	shalt  }
0x4f: {  	_ =	shalt  }
0x50: {  	_ =	shalt  }
0x51: {  	_ =	shalt  }
0x52: {  	_ =	shalt  }
0x53: {  	_ =	shalt  }
0x54: {  	_ =	shalt  }
0x55: {  	_ =	shalt  }
0x56: {  	_ =	shalt  }
0x57: {  	_ =	shalt  }
0x58: {  	_ =	shalt  }
0x59: {  	_ =	shalt  }
0x5a: {  	_ =	shalt  }
0x5b: {  	_ =	shalt  }
0x5c: {  	_ =	shalt  }
0x5d: {  	_ =	shalt  }
0x5e: {  	_ =	shalt  }
0x5f: {  	_ =	shalt  }
0x60: {  	_ =	shalt  }
0x61: {  	_ =	shalt  }
0x62: {  	_ =	shalt  }
0x63: {  	_ =	shalt  }
0x64: {  	_ =	shalt  }
0x65: {  	_ =	shalt  }
0x66: {  	_ =	shalt  }
0x67: {  	_ =	shalt  }
0x68: {  	_ =	shalt  }
0x69: {  	_ =	shalt  }
0x6a: {  	_ =	shalt  }
0x6b: {  	_ =	shalt  }
0x6c: {  	_ =	shalt  }
0x6d: {  	_ =	shalt  }
0x6e: {  	_ =	shalt  }
0x6f: {  	_ =	shalt  }
0x70: {  	_ =	shalt  }
0x71: {  	_ =	shalt  }
0x72: {  	_ =	shalt  }
0x73: {  	_ =	shalt  }
0x74: {  	_ =	shalt  }
0x75: {  	_ =	shalt  }
0x76: {  	_ =	shalt  }
0x77: {  	_ =	shalt  }
0x78: {  	_ =	shalt  }
0x79: {  	_ =	shalt  }
0x7a: {  	_ =	shalt  }
0x7b: {  	_ =	shalt  }
0x7c: {  	_ =	shalt  }
0x7d: {  	_ =	shalt  }
0x7e: {  	_ =	shalt  }
0x7f: {  	_ =	shalt  }
0x80: {  	_ =	shalt  }
0x81: {  	_ =	shalt  }
0x82: {  	_ =	shalt  }
0x83: {  	_ =	shalt  }
0x84: {  	_ =	shalt  }
0x85: {  	_ =	shalt  }
0x86: {  	_ =	shalt  }
0x87: {  	_ =	shalt  }
.Lfunc_end0:
.L_simem_size_0:
called_computation_lowered:
.L_overlay_start_0:
0x88: {  	s2 =	sld [smem:$0x3FD9]  }
0x89: {  	s3 =	sld [smem:$0x3FFE];
	_ =	sdelay $0x1  }
0x8a: {  	s1 =	srdreg.scid  }
0x8b: {  	s0 =	sand.u32 $0x1, s1  }
0x8c: {  	s17 =	sshll.u32 s0, $0xA;
	s2 =	sadd.s32 s3, s2  }
0x8d: {  	s2 =	sadd.s32 s2, s17  }
0x8e: {  	[smem:$0x3FC2] =	sst s2  }
0x8f: {  	_ = 	snop  }
0x90: {  	s2 =	sld [smem:$0x3FD0];
	(tm) =	ssettm $0x1  }
0x91: {  	s18 =	sld [smem:$0x3FFB];
	_ =	sdelay $0x3  }
0x92: {  	_ =	strace s18  }
0x93: {  	s3 =	sld [smem:$0x3FFC];
	_ =	sdelay $0x3  }
0x94: {  	_ =	strace s3  }
0x95: {  	s3 =	sld [smem:$0x3FFD];
	_ =	sdelay $0x3  }
0x96: {  	_ =	strace s3  }
0x97: {  	_ =	strace $0x8FFFFFFF  }
0x98: {  	s19 =	sld [smem:$0x3FDB];
	_ =	sdelay $0x1  }
0x99: {  	s4 =	simm.s32 $_scs_section_size  }
0x9a: {  	s5 =	simm.s32 $_size__tile_overlayer_lowered;
	s6 =	simm.s32 $_tile_overlayer_lowered  }
0x9b: {  	s22 =	simm.s32 $0x1BFF;
	s21 =	sshll.u32 s6, $0x1;
	s3 =	sadd.s32 s4, s19  }
0x9c: {  	s7 =	simm.s32 $0x0;
	s20 =	sshll.u32 s5, $0x1;
	s5 =	sadd.s32 s21, s3  }
0x9d: {  	[timem:s7], [sflag:s22] =	dma.local [hbm:s5], s20  }
0x9e: {  	_ =	swait.ge [sflag:s22], s20  }
0x9f: {  	s4 =	ssub.s32 $0x0, s20;
	[sflag:s22] =	ssyncset.done $0x0  }
0xa0: {  	[sflag:s22] =	ssyncadd.s32 s4;
	_ =	sdelay $0x1  }
0xa1: {  	s23 =	simm.s32 $0x1B8B  }
0xa2: {  	_ =	swait.ge [sflag:s23], $0x1  }
0xa3: {  	[sflag:s23] =	ssyncset.done $0x0  }
0xa4: {  	s25 =	simm.s32 $0x1B8E;
	s24 =	sld [smem:$0x3FFE];
	[sflag:s23] =	ssyncadd.s32 $0xFFFFFFFF  }
0xa5: {  	s26 =	simm.s32 $execute0_lowered;
	[smem:$0x3FD2] =	sst s25  }
0xa6: {  	s5 =	sshll.u32 s26, $0x1;
	_ =	strace $0x80000046;
	[dreg:$0x1] =	wrdreg $0xFFFFFFFF  }
0xa7: {  	s28 =	simm.s32 $_size_execute0_lowered;
	s3 =	sadd.s32 s3, s5;
	[dreg:$0x0] =	wrdreg $0x0  }
0xa8: {  	s5 =	sshll.u32 s28, $0x1;
	[dreg:$0x2] =	wrdreg s3  }
0xa9: {  	[dreg:$0x3] =	wrdreg s5  }
0xaa: {  	[dreg:$0x4] =	wrdreg $0xC0  }
0xab: {  	_ =	task [dreg:s7], $0x5FFFF  }
0xac: {  	[dreg:$0x1] =	wrdreg $0xFFFFFFFF  }
0xad: {  	[dreg:$0x0] =	wrdreg $0x60  }
0xae: {  	[dreg:$0x2] =	wrdreg s2  }
0xaf: {  	[dreg:$0x3] =	wrdreg s24  }
0xb0: {  	[dreg:$0x4] =	wrdreg $0x2FD00  }
0xb1: {  	[dreg:$0x5] =	wrdreg $0x9  }
0xb2: {  	_ =	task.clear_ibuf [dreg:s7], $0x6FFFF;
	_ =	strace $0x90000046  }
0xb3: {  	s29 =	simm.s32 $0x9;
	_ =	strace $0x80000048  }
0xb4: {  	_ =	swait.ge [sflag:s29], $0x1  }
0xb5: {  	[sflag:s29] =	ssyncadd.s32 $0xFFFFFFFF  }
0xb6: {  	_ =	strace $0x90000048  }
0xb7: {  	_ =	sfence  }
0xb8: {  	s30 =	sld [smem:$0x0];
	_ =	sdelay $0x2  }
0xb9: {  	s31 =	sshll.u32 s1, $0xD;
	s1 =	sshrl.u32 s1, $0x2  }
0xba: {  	s3 =	sand.u32 $0x4000, s31;
	s1 =	sadd.s32 s1, s30  }
0xbb: {  	s0 =	sor.u32 s3, s0;
	s1 =	sshll.u32 s1, $0x11  }
0xbc: {  	s0 =	sor.u32 s1, s0  }
0xbd: {  	s0 =	sadd.s32 $0x8F2B, s0  }
0xbe: {  	[sflag:s0] =	ssyncadd.remote.s32 $0x1  }
0xbf: {  	_ =	sfence.sel $0xFFFF  }
0xc0: {  	[dreg:$0x0] =	wrdreg $0xFFFFFFFF;
	(pc) =	sbr.abs _section_cstart, $3  }
0xc1: {  	[dreg:$0x1] =	wrdreg $0xFFFFFFFF  }
0xc2: {  	_ =	task.clear_ibuf [dreg:s7], $0x2FFFF;
	_ =	strace $0x9FFFFFFF  }
0xc3: {  	(tm) =	ssettm $0x7FFFFFFF  }
tec
execute0_lowered:
.L_overlay_start_1:
0x0: {  	(tag) =	ssettag $0x1  }
0x1: {  	s0 =	rddreg [dreg:$0x0]  }
0x2: {  	s1 =	rddreg [dreg:$0x1]  }
0x3: {  	s2 =	rddreg [dreg:$0x2]  }
0x4: {  	s4 =	srdreg.scid;
	s11 =	stileid.u32;
	s3 =	simm.s32 $0x0  }
0x5: {  	s12 =	simm.s32 $0x2800;
	s13 =	simm.s32 $0x7D;
	s15 =	simm.s32 $0x1  }
0x6: {  	s28 =	simm.s32 $0x2280;
	s29 =	simm.s32 $0x2300;
	s30 =	simm.s32 $0x2380  }
0x7: {  	s31 =	simm.s32 $0x2400;
	s14 =	simm.s32 $0x2580;
	s16 =	simm.s32 $0x2600  }
0x8: {  	s17 =	simm.s32 $0x2680;
	s18 =	simm.s32 $0x2700;
	s19 =	simm.s32 $0x2780  }
0x9: {  	s20 =	simm.s32 $0x0;
	s6 =	sand.u32 $0x1, s4;
	s7 =	smul.u32 $0x4E0, s11  }
0xa: {  	[smem:$0x7FF] =	sst s3;
	s4 =	sadd.s32 $0x1A00, s1;
	s9 =	smul.u32 $0x9C00, s11  }
0xb: {  	s5 =	sadd.s32 $0x1C00, s1;
	s25 =	sshll.u32 s11, $0x6;
	s8 =	smul.u32 $0x4E20, s6  }
0xc: {  	_ =	strace $0x80000047;
	s22 =	sshll.u32 s6, $0x4;
	s6 =	ssub.s32 $0x2, s6  }
0xd: {  	s23 =	sshrl.u32 s6, $0x1;
	s24 =	sshrl.u32 s9, $0x2;
	s7 =	sadd.s32 s7, s8  }
0xe: {  	s8 =	sor.u32 s11, s22;
	s10 =	ssub.s32 s6, s23;
	s26 =	sadd.s32 s24, s2  }
0xf: {  	s6 =	sor.u32 $0x1C02, s25;
	s11 =	simm.s32 $0x2;
	s22 =	simm.s32 $0x2000  }
0x10: {  	s23 =	simm.s32 $0x2080;
	s24 =	simm.s32 $0x2100;
	s8 =	smul.u32 $0x500, s8  }
0x11: {  	s25 =	simm.s32 $0x2180;
	s1 =	sadd.s32 s7, s1;
	s9 =	smax.u32 s10, $0x1  }
0x12: {  	s10 =	sshrl.u32 s26, $0x3;
	s26 =	simm.s32 $0x2200;
	s7 =	sadd.s32 s0, s8  }
0x13: {  	s8 =	sadd.s32 $0x2200, s1;
	s0 =	simm.s32 $0x2480;
	s1 =	simm.s32 $0x2500  }
.LBB2_1:
0x14: {  	[spmem:s10], [sflag:s6] =	dma.local [hbm:s5], $0x500  }
0x15: {  	_ =	swait.ge [sflag:s11], $0x500  }
0x16: {  	[sflag:s11] =	ssyncset.done $0x0  }
0x17: {  	[sflag:s11] =	ssyncadd.s32 $0xFFFFFB00  }
0x18: {  	[tilespmem:s3], [sflag:$0x2] =	stream.linear.gather [hbm4b:s7+s3], $0x2800, $0x38;
	[tilespmem:$0x56E0] =	vst v63  }
0x19: {  	_ =	swait.ge [sflag:s11], $0x2800  }
0x1a: {  	[sflag:s11] =	ssyncset.done $0x0  }
0x1b: {  	[sflag:s11] =	ssyncadd.s32 $0xFFFFD800  }
0x1c: {  	[tilespmem:s12], [sflag:$0x2] =	stream.linear.gather [hbm4b:s4+s3], $0x7D0, $0x38;
	[tilespmem:$0x56E0] =	vst v63  }
0x1d: {  	_ =	swait.ge [sflag:s11], $0x7D0  }
0x1e: {  	[sflag:s11] =	ssyncset.done $0x0  }
0x1f: {  	[sflag:s11] =	ssyncadd.s32 $0xFFFFF830  }
0x20: {  	[bflag:$0x0] =	sbarrier.arrive $0xFFFF  }
0x21: {  	[spmem:s2] =	stream.indirect.scatter.add.f32 [tilespmem:s12], [sflag:$0x1], $0x10, s3, s13, $0xb8;
	[tilespmem:$0x56E0] =	vst v63  }
0x22: {  	s21 =	simm.s32 $0x80  }
0x23: {  	[spmem:s2] =	stream.indirect.scatter.add.f32 [tilespmem:s12], [sflag:$0x1], $0x10, s21, s13, $0xb8;
	[tilespmem:$0x56E0] =	vst v63  }
0x24: {  	s21 =	simm.s32 $0x100  }
0x25: {  	[spmem:s2] =	stream.indirect.scatter.add.f32 [tilespmem:s12], [sflag:$0x1], $0x10, s21, s13, $0xb8;
	[tilespmem:$0x56E0] =	vst v63  }
0x26: {  	s21 =	simm.s32 $0x180  }
0x27: {  	[spmem:s2] =	stream.indirect.scatter.add.f32 [tilespmem:s12], [sflag:$0x1], $0x10, s21, s13, $0xb8;
	[tilespmem:$0x56E0] =	vst v63  }
0x28: {  	s21 =	simm.s32 $0x200  }
0x29: {  	[spmem:s2] =	stream.indirect.scatter.add.f32 [tilespmem:s12], [sflag:$0x1], $0x10, s21, s13, $0xb8;
	[tilespmem:$0x56E0] =	vst v63  }
0x2a: {  	s21 =	simm.s32 $0x280  }
0x2b: {  	[spmem:s2] =	stream.indirect.scatter.add.f32 [tilespmem:s12], [sflag:$0x1], $0x10, s21, s13, $0xb8;
	[tilespmem:$0x56E0] =	vst v63  }
0x2c: {  	s21 =	simm.s32 $0x300  }
0x2d: {  	[spmem:s2] =	stream.indirect.scatter.add.f32 [tilespmem:s12], [sflag:$0x1], $0x10, s21, s13, $0xb8;
	[tilespmem:$0x56E0] =	vst v63  }
0x2e: {  	s21 =	simm.s32 $0x380  }
0x2f: {  	[spmem:s2] =	stream.indirect.scatter.add.f32 [tilespmem:s12], [sflag:$0x1], $0x10, s21, s13, $0xb8;
	[tilespmem:$0x56E0] =	vst v63  }
0x30: {  	s21 =	simm.s32 $0x400  }
0x31: {  	[spmem:s2] =	stream.indirect.scatter.add.f32 [tilespmem:s12], [sflag:$0x1], $0x10, s21, s13, $0xb8;
	[tilespmem:$0x56E0] =	vst v63  }
0x32: {  	s21 =	simm.s32 $0x480  }
0x33: {  	[spmem:s2] =	stream.indirect.scatter.add.f32 [tilespmem:s12], [sflag:$0x1], $0x10, s21, s13, $0xb8;
	[tilespmem:$0x56E0] =	vst v63  }
0x34: {  	s21 =	simm.s32 $0x500  }
0x35: {  	[spmem:s2] =	stream.indirect.scatter.add.f32 [tilespmem:s12], [sflag:$0x1], $0x10, s21, s13, $0xb8;
	[tilespmem:$0x56E0] =	vst v63  }
0x36: {  	s21 =	simm.s32 $0x580  }
0x37: {  	[spmem:s2] =	stream.indirect.scatter.add.f32 [tilespmem:s12], [sflag:$0x1], $0x10, s21, s13, $0xb8;
	[tilespmem:$0x56E0] =	vst v63  }
0x38: {  	s21 =	simm.s32 $0x600  }
0x39: {  	[spmem:s2] =	stream.indirect.scatter.add.f32 [tilespmem:s12], [sflag:$0x1], $0x10, s21, s13, $0xb8;
	[tilespmem:$0x56E0] =	vst v63  }
0x3a: {  	s21 =	simm.s32 $0x680  }
0x3b: {  	[spmem:s2] =	stream.indirect.scatter.add.f32 [tilespmem:s12], [sflag:$0x1], $0x10, s21, s13, $0xb8;
	[tilespmem:$0x56E0] =	vst v63  }
0x3c: {  	s21 =	simm.s32 $0x700  }
0x3d: {  	[spmem:s2] =	stream.indirect.scatter.add.f32 [tilespmem:s12], [sflag:$0x1], $0x10, s21, s13, $0xb8;
	[tilespmem:$0x56E0] =	vst v63  }
0x3e: {  	s21 =	simm.s32 $0x780  }
0x3f: {  	[spmem:s2] =	stream.indirect.scatter.add.f32 [tilespmem:s12], [sflag:$0x1], $0x10, s21, s13, $0xb8;
	[tilespmem:$0x56E0] =	vst v63  }
0x40: {  	s21 =	simm.s32 $0x800  }
0x41: {  	[spmem:s2] =	stream.indirect.scatter.add.f32 [tilespmem:s12], [sflag:$0x1], $0x10, s21, s13, $0xb8;
	[tilespmem:$0x56E0] =	vst v63  }
0x42: {  	s21 =	simm.s32 $0x880  }
0x43: {  	[spmem:s2] =	stream.indirect.scatter.add.f32 [tilespmem:s12], [sflag:$0x1], $0x10, s21, s13, $0xb8;
	[tilespmem:$0x56E0] =	vst v63  }
0x44: {  	s21 =	simm.s32 $0x900  }
0x45: {  	[spmem:s2] =	stream.indirect.scatter.add.f32 [tilespmem:s12], [sflag:$0x1], $0x10, s21, s13, $0xb8;
	[tilespmem:$0x56E0] =	vst v63  }
0x46: {  	s21 =	simm.s32 $0x980  }
0x47: {  	[spmem:s2] =	stream.indirect.scatter.add.f32 [tilespmem:s12], [sflag:$0x1], $0x10, s21, s13, $0xb8;
	[tilespmem:$0x56E0] =	vst v63  }
0x48: {  	s21 =	simm.s32 $0xA00  }
0x49: {  	[spmem:s2] =	stream.indirect.scatter.add.f32 [tilespmem:s12], [sflag:$0x1], $0x10, s21, s13, $0xb8;
	[tilespmem:$0x56E0] =	vst v63  }
0x4a: {  	s21 =	simm.s32 $0xA80  }
0x4b: {  	[spmem:s2] =	stream.indirect.scatter.add.f32 [tilespmem:s12], [sflag:$0x1], $0x10, s21, s13, $0xb8;
	[tilespmem:$0x56E0] =	vst v63  }
0x4c: {  	s21 =	simm.s32 $0xB00  }
0x4d: {  	[spmem:s2] =	stream.indirect.scatter.add.f32 [tilespmem:s12], [sflag:$0x1], $0x10, s21, s13, $0xb8;
	[tilespmem:$0x56E0] =	vst v63  }
0x4e: {  	s21 =	simm.s32 $0xB80  }
0x4f: {  	[spmem:s2] =	stream.indirect.scatter.add.f32 [tilespmem:s12], [sflag:$0x1], $0x10, s21, s13, $0xb8;
	[tilespmem:$0x56E0] =	vst v63  }
0x50: {  	s21 =	simm.s32 $0xC00  }
0x51: {  	[spmem:s2] =	stream.indirect.scatter.add.f32 [tilespmem:s12], [sflag:$0x1], $0x10, s21, s13, $0xb8;
	[tilespmem:$0x56E0] =	vst v63  }
0x52: {  	s21 =	simm.s32 $0xC80  }
0x53: {  	[spmem:s2] =	stream.indirect.scatter.add.f32 [tilespmem:s12], [sflag:$0x1], $0x10, s21, s13, $0xb8;
	[tilespmem:$0x56E0] =	vst v63  }
0x54: {  	s21 =	simm.s32 $0xD00  }
0x55: {  	[spmem:s2] =	stream.indirect.scatter.add.f32 [tilespmem:s12], [sflag:$0x1], $0x10, s21, s13, $0xb8;
	[tilespmem:$0x56E0] =	vst v63  }
0x56: {  	s21 =	simm.s32 $0xD80  }
0x57: {  	[spmem:s2] =	stream.indirect.scatter.add.f32 [tilespmem:s12], [sflag:$0x1], $0x10, s21, s13, $0xb8;
	[tilespmem:$0x56E0] =	vst v63  }
0x58: {  	s21 =	simm.s32 $0xE00  }
0x59: {  	[spmem:s2] =	stream.indirect.scatter.add.f32 [tilespmem:s12], [sflag:$0x1], $0x10, s21, s13, $0xb8;
	[tilespmem:$0x56E0] =	vst v63  }
0x5a: {  	s21 =	simm.s32 $0xE80  }
0x5b: {  	[spmem:s2] =	stream.indirect.scatter.add.f32 [tilespmem:s12], [sflag:$0x1], $0x10, s21, s13, $0xb8;
	[tilespmem:$0x56E0] =	vst v63  }
0x5c: {  	s21 =	simm.s32 $0xF00  }
0x5d: {  	[spmem:s2] =	stream.indirect.scatter.add.f32 [tilespmem:s12], [sflag:$0x1], $0x10, s21, s13, $0xb8;
	[tilespmem:$0x56E0] =	vst v63  }
0x5e: {  	s21 =	simm.s32 $0xF80  }
0x5f: {  	[spmem:s2] =	stream.indirect.scatter.add.f32 [tilespmem:s12], [sflag:$0x1], $0x10, s21, s13, $0xb8;
	[tilespmem:$0x56E0] =	vst v63  }
0x60: {  	s21 =	simm.s32 $0x1000  }
0x61: {  	[spmem:s2] =	stream.indirect.scatter.add.f32 [tilespmem:s12], [sflag:$0x1], $0x10, s21, s13, $0xb8;
	[tilespmem:$0x56E0] =	vst v63  }
0x62: {  	s21 =	simm.s32 $0x1080  }
0x63: {  	[spmem:s2] =	stream.indirect.scatter.add.f32 [tilespmem:s12], [sflag:$0x1], $0x10, s21, s13, $0xb8;
	[tilespmem:$0x56E0] =	vst v63  }
0x64: {  	s21 =	simm.s32 $0x1100  }
0x65: {  	[spmem:s2] =	stream.indirect.scatter.add.f32 [tilespmem:s12], [sflag:$0x1], $0x10, s21, s13, $0xb8;
	[tilespmem:$0x56E0] =	vst v63  }
0x66: {  	s21 =	simm.s32 $0x1180  }
0x67: {  	[spmem:s2] =	stream.indirect.scatter.add.f32 [tilespmem:s12], [sflag:$0x1], $0x10, s21, s13, $0xb8;
	[tilespmem:$0x56E0] =	vst v63  }
0x68: {  	s21 =	simm.s32 $0x1200  }
0x69: {  	[spmem:s2] =	stream.indirect.scatter.add.f32 [tilespmem:s12], [sflag:$0x1], $0x10, s21, s13, $0xb8;
	[tilespmem:$0x56E0] =	vst v63  }
0x6a: {  	s21 =	simm.s32 $0x1280  }
0x6b: {  	[spmem:s2] =	stream.indirect.scatter.add.f32 [tilespmem:s12], [sflag:$0x1], $0x10, s21, s13, $0xb8;
	[tilespmem:$0x56E0] =	vst v63  }
0x6c: {  	s21 =	simm.s32 $0x1300  }
0x6d: {  	[spmem:s2] =	stream.indirect.scatter.add.f32 [tilespmem:s12], [sflag:$0x1], $0x10, s21, s13, $0xb8;
	[tilespmem:$0x56E0] =	vst v63  }
0x6e: {  	s21 =	simm.s32 $0x1380  }
0x6f: {  	[spmem:s2] =	stream.indirect.scatter.add.f32 [tilespmem:s12], [sflag:$0x1], $0x10, s21, s13, $0xb8;
	[tilespmem:$0x56E0] =	vst v63  }
0x70: {  	_ =	swait.ge [sflag:s15], $0x7D0  }
0x71: {  	s21 =	simm.s32 $0x27;
	[sflag:s15] =	ssyncset.done $0x0  }
.LBB2_2:
0x72: {  	p0 =	sne.s32 s21, $0x1;
	s21 =	sadd.s32 $0xFFFFFFFF, s21;
	[sflag:s15] =	ssyncadd.s32 $0xFFFFF830  }
.Ltmp0:
0x73: {  	(pc) =	sbr.rel @p0 .LBB2_2-.Ltmp0, $3  }
0x74: {  	_ =	sdelay $0x1  }
0x75: {  	_ =	swait.ge [sflag:s15], $0x7D0  }
0x76: {  	[sflag:s15] =	ssyncset.done $0x0  }
0x77: {  	[sflag:s15] =	ssyncadd.s32 $0xFFFFF830;
	s21 =	simm.s32 $0x1400  }
0x78: {  	[spmem:s2] =	stream.indirect.scatter.add.f32 [tilespmem:s12], [sflag:$0x1], $0x10, s21, s13, $0xb8;
	[tilespmem:$0x56E0] =	vst v63  }
0x79: {  	s21 =	simm.s32 $0x1480  }
0x7a: {  	[spmem:s2] =	stream.indirect.scatter.add.f32 [tilespmem:s12], [sflag:$0x1], $0x10, s21, s13, $0xb8;
	[tilespmem:$0x56E0] =	vst v63  }
0x7b: {  	s21 =	simm.s32 $0x1500  }
0x7c: {  	[spmem:s2] =	stream.indirect.scatter.add.f32 [tilespmem:s12], [sflag:$0x1], $0x10, s21, s13, $0xb8;
	[tilespmem:$0x56E0] =	vst v63  }
0x7d: {  	s21 =	simm.s32 $0x1580  }
0x7e: {  	[spmem:s2] =	stream.indirect.scatter.add.f32 [tilespmem:s12], [sflag:$0x1], $0x10, s21, s13, $0xb8;
	[tilespmem:$0x56E0] =	vst v63  }
0x7f: {  	s21 =	simm.s32 $0x1600  }
0x80: {  	[spmem:s2] =	stream.indirect.scatter.add.f32 [tilespmem:s12], [sflag:$0x1], $0x10, s21, s13, $0xb8;
	[tilespmem:$0x56E0] =	vst v63  }
0x81: {  	s21 =	simm.s32 $0x1680  }
0x82: {  	[spmem:s2] =	stream.indirect.scatter.add.f32 [tilespmem:s12], [sflag:$0x1], $0x10, s21, s13, $0xb8;
	[tilespmem:$0x56E0] =	vst v63  }
0x83: {  	s21 =	simm.s32 $0x1700  }
0x84: {  	[spmem:s2] =	stream.indirect.scatter.add.f32 [tilespmem:s12], [sflag:$0x1], $0x10, s21, s13, $0xb8;
	[tilespmem:$0x56E0] =	vst v63  }
0x85: {  	s21 =	simm.s32 $0x1780  }
0x86: {  	[spmem:s2] =	stream.indirect.scatter.add.f32 [tilespmem:s12], [sflag:$0x1], $0x10, s21, s13, $0xb8;
	[tilespmem:$0x56E0] =	vst v63  }
0x87: {  	s21 =	simm.s32 $0x1800  }
0x88: {  	[spmem:s2] =	stream.indirect.scatter.add.f32 [tilespmem:s12], [sflag:$0x1], $0x10, s21, s13, $0xb8;
	[tilespmem:$0x56E0] =	vst v63  }
0x89: {  	s21 =	simm.s32 $0x1880  }
0x8a: {  	[spmem:s2] =	stream.indirect.scatter.add.f32 [tilespmem:s12], [sflag:$0x1], $0x10, s21, s13, $0xb8;
	[tilespmem:$0x56E0] =	vst v63  }
0x8b: {  	s21 =	simm.s32 $0x1900  }
0x8c: {  	[spmem:s2] =	stream.indirect.scatter.add.f32 [tilespmem:s12], [sflag:$0x1], $0x10, s21, s13, $0xb8;
	[tilespmem:$0x56E0] =	vst v63  }
0x8d: {  	s21 =	simm.s32 $0x1980  }
0x8e: {  	[spmem:s2] =	stream.indirect.scatter.add.f32 [tilespmem:s12], [sflag:$0x1], $0x10, s21, s13, $0xb8;
	[tilespmem:$0x56E0] =	vst v63  }
0x8f: {  	s21 =	simm.s32 $0x1A00  }
0x90: {  	[spmem:s2] =	stream.indirect.scatter.add.f32 [tilespmem:s12], [sflag:$0x1], $0x10, s21, s13, $0xb8;
	[tilespmem:$0x56E0] =	vst v63  }
0x91: {  	s21 =	simm.s32 $0x1A80  }
0x92: {  	[spmem:s2] =	stream.indirect.scatter.add.f32 [tilespmem:s12], [sflag:$0x1], $0x10, s21, s13, $0xb8;
	[tilespmem:$0x56E0] =	vst v63  }
0x93: {  	s21 =	simm.s32 $0x1B00  }
0x94: {  	[spmem:s2] =	stream.indirect.scatter.add.f32 [tilespmem:s12], [sflag:$0x1], $0x10, s21, s13, $0xb8;
	[tilespmem:$0x56E0] =	vst v63  }
0x95: {  	s21 =	simm.s32 $0x1B80  }
0x96: {  	[spmem:s2] =	stream.indirect.scatter.add.f32 [tilespmem:s12], [sflag:$0x1], $0x10, s21, s13, $0xb8;
	[tilespmem:$0x56E0] =	vst v63  }
0x97: {  	s21 =	simm.s32 $0x1C00  }
0x98: {  	[spmem:s2] =	stream.indirect.scatter.add.f32 [tilespmem:s12], [sflag:$0x1], $0x10, s21, s13, $0xb8;
	[tilespmem:$0x56E0] =	vst v63  }
0x99: {  	s21 =	simm.s32 $0x1C80  }
0x9a: {  	[spmem:s2] =	stream.indirect.scatter.add.f32 [tilespmem:s12], [sflag:$0x1], $0x10, s21, s13, $0xb8;
	[tilespmem:$0x56E0] =	vst v63  }
0x9b: {  	s21 =	simm.s32 $0x1D00  }
0x9c: {  	[spmem:s2] =	stream.indirect.scatter.add.f32 [tilespmem:s12], [sflag:$0x1], $0x10, s21, s13, $0xb8;
	[tilespmem:$0x56E0] =	vst v63  }
0x9d: {  	s21 =	simm.s32 $0x1D80  }
0x9e: {  	[spmem:s2] =	stream.indirect.scatter.add.f32 [tilespmem:s12], [sflag:$0x1], $0x10, s21, s13, $0xb8;
	[tilespmem:$0x56E0] =	vst v63  }
0x9f: {  	s21 =	simm.s32 $0x1E00  }
0xa0: {  	[spmem:s2] =	stream.indirect.scatter.add.f32 [tilespmem:s12], [sflag:$0x1], $0x10, s21, s13, $0xb8;
	[tilespmem:$0x56E0] =	vst v63  }
0xa1: {  	s21 =	simm.s32 $0x1E80  }
0xa2: {  	[spmem:s2] =	stream.indirect.scatter.add.f32 [tilespmem:s12], [sflag:$0x1], $0x10, s21, s13, $0xb8;
	[tilespmem:$0x56E0] =	vst v63  }
0xa3: {  	s21 =	simm.s32 $0x1F00  }
0xa4: {  	[spmem:s2] =	stream.indirect.scatter.add.f32 [tilespmem:s12], [sflag:$0x1], $0x10, s21, s13, $0xb8;
	[tilespmem:$0x56E0] =	vst v63  }
0xa5: {  	s21 =	simm.s32 $0x1F80  }
0xa6: {  	[spmem:s2] =	stream.indirect.scatter.add.f32 [tilespmem:s12], [sflag:$0x1], $0x10, s21, s13, $0xb8;
	[tilespmem:$0x56E0] =	vst v63  }
0xa7: {  	_ = 	snop  }
0xa8: {  	[spmem:s2] =	stream.indirect.scatter.add.f32 [tilespmem:s12], [sflag:$0x1], $0x10, s22, s13, $0xb8;
	[tilespmem:$0x56E0] =	vst v63  }
0xa9: {  	_ = 	snop  }
0xaa: {  	[spmem:s2] =	stream.indirect.scatter.add.f32 [tilespmem:s12], [sflag:$0x1], $0x10, s23, s13, $0xb8;
	[tilespmem:$0x56E0] =	vst v63  }
0xab: {  	_ = 	snop  }
0xac: {  	[spmem:s2] =	stream.indirect.scatter.add.f32 [tilespmem:s12], [sflag:$0x1], $0x10, s24, s13, $0xb8;
	[tilespmem:$0x56E0] =	vst v63  }
0xad: {  	_ = 	snop  }
0xae: {  	[spmem:s2] =	stream.indirect.scatter.add.f32 [tilespmem:s12], [sflag:$0x1], $0x10, s25, s13, $0xb8;
	[tilespmem:$0x56E0] =	vst v63  }
0xaf: {  	_ = 	snop  }
0xb0: {  	[spmem:s2] =	stream.indirect.scatter.add.f32 [tilespmem:s12], [sflag:$0x1], $0x10, s26, s13, $0xb8;
	[tilespmem:$0x56E0] =	vst v63  }
0xb1: {  	_ = 	snop  }
0xb2: {  	[spmem:s2] =	stream.indirect.scatter.add.f32 [tilespmem:s12], [sflag:$0x1], $0x10, s28, s13, $0xb8;
	[tilespmem:$0x56E0] =	vst v63  }
0xb3: {  	_ = 	snop  }
0xb4: {  	[spmem:s2] =	stream.indirect.scatter.add.f32 [tilespmem:s12], [sflag:$0x1], $0x10, s29, s13, $0xb8;
	[tilespmem:$0x56E0] =	vst v63  }
0xb5: {  	_ = 	snop  }
0xb6: {  	[spmem:s2] =	stream.indirect.scatter.add.f32 [tilespmem:s12], [sflag:$0x1], $0x10, s30, s13, $0xb8;
	[tilespmem:$0x56E0] =	vst v63  }
0xb7: {  	_ = 	snop  }
0xb8: {  	[spmem:s2] =	stream.indirect.scatter.add.f32 [tilespmem:s12], [sflag:$0x1], $0x10, s31, s13, $0xb8;
	[tilespmem:$0x56E0] =	vst v63  }
0xb9: {  	_ = 	snop  }
0xba: {  	[spmem:s2] =	stream.indirect.scatter.add.f32 [tilespmem:s12], [sflag:$0x1], $0x10, s0, s13, $0xb8;
	[tilespmem:$0x56E0] =	vst v63  }
0xbb: {  	_ = 	snop  }
0xbc: {  	[spmem:s2] =	stream.indirect.scatter.add.f32 [tilespmem:s12], [sflag:$0x1], $0x10, s1, s13, $0xb8;
	[tilespmem:$0x56E0] =	vst v63  }
0xbd: {  	_ = 	snop  }
0xbe: {  	[spmem:s2] =	stream.indirect.scatter.add.f32 [tilespmem:s12], [sflag:$0x1], $0x10, s14, s13, $0xb8;
	[tilespmem:$0x56E0] =	vst v63  }
0xbf: {  	_ = 	snop  }
0xc0: {  	[spmem:s2] =	stream.indirect.scatter.add.f32 [tilespmem:s12], [sflag:$0x1], $0x10, s16, s13, $0xb8;
	[tilespmem:$0x56E0] =	vst v63  }
0xc1: {  	_ = 	snop  }
0xc2: {  	[spmem:s2] =	stream.indirect.scatter.add.f32 [tilespmem:s12], [sflag:$0x1], $0x10, s17, s13, $0xb8;
	[tilespmem:$0x56E0] =	vst v63  }
0xc3: {  	_ = 	snop  }
0xc4: {  	[spmem:s2] =	stream.indirect.scatter.add.f32 [tilespmem:s12], [sflag:$0x1], $0x10, s18, s13, $0xb8;
	[tilespmem:$0x56E0] =	vst v63  }
0xc5: {  	_ = 	snop  }
0xc6: {  	[spmem:s2] =	stream.indirect.scatter.add.f32 [tilespmem:s12], [sflag:$0x1], $0x10, s19, s13, $0xb8;
	[tilespmem:$0x56E0] =	vst v63  }
0xc7: {  	_ =	swait.ge [sflag:s15], $0x7D0  }
0xc8: {  	s21 =	simm.s32 $0x27;
	[sflag:s15] =	ssyncset.done $0x0  }
.LBB2_4:
0xc9: {  	p0 =	sne.s32 s21, $0x1;
	s21 =	sadd.s32 $0xFFFFFFFF, s21;
	[sflag:s15] =	ssyncadd.s32 $0xFFFFF830  }
.Ltmp1:
0xca: {  	(pc) =	sbr.rel @p0 .LBB2_4-.Ltmp1, $3  }
0xcb: {  	_ =	sdelay $0x1  }
0xcc: {  	_ =	swait.ge [sflag:s15], $0x7D0  }
0xcd: {  	[sflag:s15] =	ssyncset.done $0x0  }
0xce: {  	s20 =	sadd.s32 $0x1, s20  }
0xcf: {  	[sflag:s15] =	ssyncadd.s32 $0xFFFFF830;
	p0 =	sne.s32 s20, s9  }
.Ltmp2:
0xd0: {  	[bflag:$0x0] =	sbarrier.arrive $0xFFFF;
	(pc) =	sbr.rel @p0 .LBB2_1-.Ltmp2, $4  }
0xd1: {  	[hbm:s8], [sflag:s6] =	dma.local [spmem:s10], $0x500  }
0xd2: {  	_ =	swait.ge [sflag:s11], $0x500  }
0xd3: {  	[sflag:s11] =	ssyncset.done $0x0  }
0xd4: {  	[sflag:s11] =	ssyncadd.s32 $0xFFFFFB00  }
0xd5: {  	_ =	sfence.sel $0x180000  }
0xd6: {  	[bflag:$0x0] =	sbarrier.arrive $0xFFFF  }
0xd7: {  	_ =	strace $0x90000047  }
0xd8: {  	s0 =	stileid.u32;
	[bflag:$0x2] =	sbarrier.arrive $0xFFFF  }
0xd9: {  	p0 =	sne.s32 s0, $0x0;
	s0 =	rddreg [dreg:$0x3]  }
0xda: {  	s0 =	sadd.s32 @!p0 $0x100000, s0  }
0xdb: {  	[sflag:s0] =	ssyncadd.tile.s32 @!p0 $0x1;
	_ =	shalt  }
.Lfunc_end2:
_tile_overlayer_lowered:
.L_overlay_start_2:
0xdc: {  	(tag) =	ssettag $0x2  }
0xdd: {  	s0 =	rddreg [dreg:$0x0];
	s2 =	stileid.u32  }
0xde: {  	s1 =	rddreg [dreg:$0x1];
	p0 =	sne.s32 s2, $0x0  }
0xdf: {  	s3 =	rddreg [dreg:$0x2];
	[bflag:$0x3] =	sbarrier.arrive $0xFFFF;
	s2 =	simm.s32 @!p0 $0x1C02  }
0xe0: {  	[timem:s3], [sflag:s2] =	dma.local @!p0 [hbm:s0], s1  }
0xe1: {  	s0 =	simm.s32 @!p0 $0x2  }
0xe2: {  	_ =	swait.ge @!p0 [sflag:s0], s1  }
0xe3: {  	s1 =	ssub.s32 @!p0 $0x0, s1;
	[sflag:s0] =	ssyncset.done @!p0 $0x0  }
0xe4: {  	[sflag:s0] =	ssyncadd.s32 @!p0 s1  }
0xe5: {  	[bflag:$0x3] =	sbarrier.arrive $0xFFFF  }
0xe6: {  	_ =	shalt  }

</sc_bundles>
